<compile_context>
chip_gen: v7x
topology: tpu7x:2x2x1
jax: 0.10.2.dev20260603
libtpu: 0.0.44.dev20260713+nightly
codegen_flags: <defaults>
</compile_context>

<pallas_src>
import jax
import jax.numpy as jnp
from jax import lax
from jax.experimental import pallas as pl
from jax.experimental.pallas import tpu as pltpu
from jax.experimental.pallas import tpu_sc as plsc

B = 8
NN = 32
D = 5
C = 32
TOT = C * C * C
NC = 2
NS = 16
NW = NC * NS
COLS = TOT // NW
SHIFTS = (14, 9, 4)

QN = 2
NQ = NN // QN


def _weights_body(dps_ref, w_ref):
    b = pl.program_id(0)
    q = pl.program_id(1)

    blk = dps_ref[0]

    def cp(v):
        c_iota = jax.lax.broadcasted_iota(jnp.int32, (NN, C), 1)
        acc = jnp.zeros((NN, C), jnp.float32)
        for dd in range(D):
            lo = blk[v * 2 * D + 2 * dd]
            hi = blk[v * 2 * D + 2 * dd + 1]
            diff = hi - lo
            bit = ((c_iota >> (D - 1 - dd)) & 1).astype(jnp.float32)
            acc = acc + lo[:, None] + bit * diff[:, None]
        return jnp.where(q == 0, acc[:NQ], acc[NQ:])

    cp0 = cp(0)
    cp1 = cp(1)
    cp2 = cp(2)
    p12 = cp1[:, None, :, None] + cp2[:, None, None, :]
    w_ref[0] = cp0[:, :, None, None] + p12


def _ct_body(ct0_hbm, ct1_hbm, ct2_hbm, buf, sem):
    cid = lax.axis_index("c")
    sid = lax.axis_index("s")
    wid = (sid * NC + cid).astype(jnp.int32)
    base = wid * COLS
    lane = lax.broadcasted_iota(jnp.int32, (16,), 0)

    for v in range(3):
        for dd in range(D):
            sh = SHIFTS[v] - dd

            @plsc.parallel_loop(0, COLS // 16, unroll=8)
            def _(j, _r=v * D + dd, _sh=sh):
                t = base + j * 16 + lane
                buf[_r, pl.ds(j * 16, 16)] = (t >> _sh) & 1

    dmas = []
    for v, ct_hbm in enumerate((ct0_hbm, ct1_hbm, ct2_hbm)):
        for dd in range(D):
            dmas.append(pltpu.async_copy(
                buf.at[pl.ds(v * D + dd, 1), :],
                ct_hbm.at[pl.ds(dd, 1), pl.ds(base, COLS)], sem))
    for dma in dmas:
        dma.wait()


def kernel(dp0, dp1, dp2):
    dps = jnp.stack([dp0, dp1, dp2], axis=1)
    dps = dps.transpose(0, 1, 2, 4, 3).reshape(B, 3 * D * 2, NN)
    dp_spec = pl.BlockSpec((1, 3 * D * 2, NN), lambda b, q: (b, 0, 0))
    w = pl.pallas_call(
        _weights_body,
        grid=(B, QN),
        in_specs=[dp_spec],
        out_specs=[pl.BlockSpec((1, NQ, C, C, C), lambda b, q: (b, q, 0, 0, 0))],
        out_shape=[jax.ShapeDtypeStruct((B, NN, C, C, C), jnp.float32)],
    )(dps)[0]

    mesh = plsc.VectorSubcoreMesh(
        core_axis_name="c", subcore_axis_name="s", num_cores=NC, num_subcores=NS)
    ct_shape = jax.ShapeDtypeStruct((D, TOT), jnp.int32)
    sc_ct = pl.kernel(
        _ct_body,
        out_type=[ct_shape, ct_shape, ct_shape],
        mesh=mesh,
        compiler_params=pltpu.CompilerParams(needs_layout_passes=False),
        scratch_types=[
            pltpu.VMEM((3 * D, COLS), jnp.int32),
            pltpu.SemaphoreType.DMA,
        ],
    )
    ct0, ct1, ct2 = sc_ct()
    return ct0, ct1, ct2, w

# --- scband reference (transcript-rebuilt; emitter-appended) ---
"""Pipeline reference for scband-combination-constructor-53523882443113 (READ-ONLY COPY).

The authoritative reference and input builder live on the scoring server;
editing this copy changes nothing except your own understanding.
"""

import jax, jax.numpy as jnp
import numpy as np

B = 8
NN = 32
DIMS = [5, 5, 5]
N_VARS = 3

def setup_inputs(seed: int = 0) -> dict:
    key = jax.random.key(seed)
    ks = jax.random.split(key, N_VARS)
    inp = {}
    for i in range(N_VARS):
        inp[f"dp{i}"] = jax.random.normal(ks[i], (B, DIMS[i], NN, 2), dtype=jnp.float32)
    return inp

def reference(dp0, dp1, dp2):
    # Faithful translation of CombinationConstructor.call with all-binary domains
    # (domains[i] is not a python list in the original call, so domain = [0, 1]).
    dps = [dp0, dp1, dp2]
    n = len(dps)
    dims = [int(dp.shape[1]) for dp in dps]
    b = int(dps[0].shape[0])
    Np = int(dps[0].shape[2])
    domain = jnp.arange(2, dtype=jnp.int64)
    combos = [2 ** d for d in dims]
    combination_weights = jnp.zeros((1, 1) + (1,) * n, dtype=jnp.float32)
    combination_tensors = []
    for i in range(n):
        d_i = dims[i]
        # rearrange 'b dimension n domain -> b n dimension domain'
        params = jnp.transpose(dps[i], (0, 2, 1, 3))  # (b, Np, d_i, 2)
        # parameter domain size is 2 (> 1), so get_bernoulli_parameters branch is not taken
        # combination indices: meshgrid over d_i copies of range(2)
        mesh = jnp.meshgrid(*([jnp.arange(2, dtype=jnp.int64)] * d_i), indexing='ij')
        ci = jnp.stack(mesh, axis=-1).reshape(-1, d_i)        # (combos_i, d_i)
        ci = jnp.transpose(ci)                                 # (d_i, combos_i)
        ci = jnp.broadcast_to(ci[None, None, :, :], (b, Np, d_i, combos[i]))
        # tf.gather(params, ci, batch_dims=3) == take_along_axis over last axis
        gathered = jnp.take_along_axis(params, ci, axis=3)     # (b, Np, d_i, combos_i)
        combination_parameters = jnp.sum(gathered, axis=-2)    # (b, Np, combos_i)
        final_shape = [b, Np] + [1] * i + [combos[i]] + [1] * (n - i - 1)
        combination_parameters = combination_parameters.reshape(final_shape)
        combination_weights = combination_weights + combination_parameters
        before_i = int(np.prod([combos[j] for j in range(i)])) if i > 0 else 1
        past_i = int(np.prod([combos[j] for j in range(i + 1, n)])) if i < n - 1 else 1
        dm = jnp.meshgrid(*([domain] * d_i), indexing='ij')
        ct = jnp.stack(dm, axis=-1).reshape(-1, d_i)           # (combos_i, d_i)
        ct = jnp.broadcast_to(ct[None, :, None, :], (before_i, combos[i], past_i, d_i))
        ct = ct.reshape(before_i * combos[i] * past_i, d_i)
        ct = jnp.transpose(ct)                                 # (d_i, total_combos)
        combination_tensors.append(ct)
    return (*combination_tensors, combination_weights)

if __name__ == "__main__":
    import jax
    _d = setup_inputs()
    print(jax.jit(kernel)(*tuple(_d.values())))

</pallas_src>

<mosaic_0001>
#map = affine_map<(d0, d1) -> (0, 0)>
module attributes {stable_mosaic.version = 14 : i64} {
  func.func @_ct_body(%arg0: i32, %arg1: i32, %arg2: memref<5x32768xi32, #tpu.memory_space<hbm>>, %arg3: memref<5x32768xi32, #tpu.memory_space<hbm>>, %arg4: memref<5x32768xi32, #tpu.memory_space<hbm>>, %arg5: memref<15x1024xi32, #tpu.memory_space<vmem>>, %arg6: memref<!tpu.dma_semaphore, #tpu.memory_space<semaphore_mem>>) attributes {dimension_semantics = [#tpu.dimension_semantics<core_parallel>, #tpu.dimension_semantics<subcore_parallel>], iteration_bounds = array<i64: 2, 16>, scalar_prefetch = 0 : i64, scratch_operands = 2 : i64, tpu.core_type = #tpu.core_type<sc_vector_subcore>, window_params = [{transform_indices = #map}, {transform_indices = #map}, {transform_indices = #map}]} {
    %mul3A = arith.constant 2 : i32
    %mul3A_0 = arith.muli %arg1, %mul3A : i32
    %add3A = arith.addi %mul3A_0, %arg0 : i32
    %mul3A_1 = arith.constant 1024 : i32
    %mul3A_2 = arith.muli %add3A, %mul3A_1 : i32
    %iota3A = tpu.iota {dimensions = array<i32: 0>} : vector<16xi32>
    %parallel_loop3A = arith.constant 0 : i32
    %parallel_loop3A_3 = arith.constant 64 : i32
    %parallel_loop3A_4 = arith.constant 1 : i32
    scf.for %parallel_loop3A_345 = %parallel_loop3A to %parallel_loop3A_3 step %parallel_loop3A_4  : i32 {
      %parallel_loop3A_346 = arith.constant 16 : i32
      %parallel_loop3A_347 = arith.muli %parallel_loop3A_345, %parallel_loop3A_346 : i32
      %parallel_loop3A_348 = arith.addi %mul3A_2, %parallel_loop3A_347 : i32
      %parallel_loop3A_349 = vector.broadcast %parallel_loop3A_348 : i32 to vector<16xi32>
      %parallel_loop3A_350 = arith.addi %parallel_loop3A_349, %iota3A : vector<16xi32>
      %parallel_loop3A_351 = arith.constant 14 : i32
      %parallel_loop3A_352 = vector.broadcast %parallel_loop3A_351 : i32 to vector<16xi32>
      %parallel_loop3A_353 = arith.shrsi %parallel_loop3A_350, %parallel_loop3A_352 : vector<16xi32>
      %parallel_loop3A_354 = arith.constant 1 : i32
      %parallel_loop3A_355 = vector.broadcast %parallel_loop3A_354 : i32 to vector<16xi32>
      %parallel_loop3A_356 = arith.andi %parallel_loop3A_353, %parallel_loop3A_355 : vector<16xi32>
      %parallel_loop3A_357 = arith.constant 16 : i32
      %parallel_loop3A_358 = arith.muli %parallel_loop3A_345, %parallel_loop3A_357 : i32
      %parallel_loop3A_359 = arith.constant 0 : i32
      %parallel_loop3A_360 = arith.index_cast %parallel_loop3A_359 : i32 to index
      %parallel_loop3A_361 = arith.index_cast %parallel_loop3A_358 : i32 to index
      %parallel_loop3A_362 = tpu.vector_load %arg5[%parallel_loop3A_360, %parallel_loop3A_361] {strides = array<i32>} : memref<15x1024xi32, #tpu.memory_space<vmem>>, vector<16xi32>,
      tpu.vector_store %arg5[%parallel_loop3A_360, %parallel_loop3A_361], %parallel_loop3A_356 {strides = array<i32>} : memref<15x1024xi32, #tpu.memory_space<vmem>>, vector<16xi32>,
    } {sc.loop_unroll_factor = 8 : i64, sc.parallel_access}
    %parallel_loop3A_5 = arith.constant 0 : i32
    %parallel_loop3A_6 = arith.constant 64 : i32
    %parallel_loop3A_7 = arith.constant 1 : i32
    scf.for %parallel_loop3A_345 = %parallel_loop3A_5 to %parallel_loop3A_6 step %parallel_loop3A_7  : i32 {
      %parallel_loop3A_346 = arith.constant 16 : i32
      %parallel_loop3A_347 = arith.muli %parallel_loop3A_345, %parallel_loop3A_346 : i32
      %parallel_loop3A_348 = arith.addi %mul3A_2, %parallel_loop3A_347 : i32
      %parallel_loop3A_349 = vector.broadcast %parallel_loop3A_348 : i32 to vector<16xi32>
      %parallel_loop3A_350 = arith.addi %parallel_loop3A_349, %iota3A : vector<16xi32>
      %parallel_loop3A_351 = arith.constant 13 : i32
      %parallel_loop3A_352 = vector.broadcast %parallel_loop3A_351 : i32 to vector<16xi32>
      %parallel_loop3A_353 = arith.shrsi %parallel_loop3A_350, %parallel_loop3A_352 : vector<16xi32>
      %parallel_loop3A_354 = arith.constant 1 : i32
      %parallel_loop3A_355 = vector.broadcast %parallel_loop3A_354 : i32 to vector<16xi32>
      %parallel_loop3A_356 = arith.andi %parallel_loop3A_353, %parallel_loop3A_355 : vector<16xi32>
      %parallel_loop3A_357 = arith.constant 16 : i32
      %parallel_loop3A_358 = arith.muli %parallel_loop3A_345, %parallel_loop3A_357 : i32
      %parallel_loop3A_359 = arith.constant 1 : i32
      %parallel_loop3A_360 = arith.index_cast %parallel_loop3A_359 : i32 to index
      %parallel_loop3A_361 = arith.index_cast %parallel_loop3A_358 : i32 to index
      %parallel_loop3A_362 = tpu.vector_load %arg5[%parallel_loop3A_360, %parallel_loop3A_361] {strides = array<i32>} : memref<15x1024xi32, #tpu.memory_space<vmem>>, vector<16xi32>,
      tpu.vector_store %arg5[%parallel_loop3A_360, %parallel_loop3A_361], %parallel_loop3A_356 {strides = array<i32>} : memref<15x1024xi32, #tpu.memory_space<vmem>>, vector<16xi32>,
    } {sc.loop_unroll_factor = 8 : i64, sc.parallel_access}
    %parallel_loop3A_8 = arith.constant 0 : i32
    %parallel_loop3A_9 = arith.constant 64 : i32
    %parallel_loop3A_10 = arith.constant 1 : i32
    scf.for %parallel_loop3A_345 = %parallel_loop3A_8 to %parallel_loop3A_9 step %parallel_loop3A_10  : i32 {
      %parallel_loop3A_346 = arith.constant 16 : i32
      %parallel_loop3A_347 = arith.muli %parallel_loop3A_345, %parallel_loop3A_346 : i32
      %parallel_loop3A_348 = arith.addi %mul3A_2, %parallel_loop3A_347 : i32
      %parallel_loop3A_349 = vector.broadcast %parallel_loop3A_348 : i32 to vector<16xi32>
      %parallel_loop3A_350 = arith.addi %parallel_loop3A_349, %iota3A : vector<16xi32>
      %parallel_loop3A_351 = arith.constant 12 : i32
      %parallel_loop3A_352 = vector.broadcast %parallel_loop3A_351 : i32 to vector<16xi32>
      %parallel_loop3A_353 = arith.shrsi %parallel_loop3A_350, %parallel_loop3A_352 : vector<16xi32>
      %parallel_loop3A_354 = arith.constant 1 : i32
      %parallel_loop3A_355 = vector.broadcast %parallel_loop3A_354 : i32 to vector<16xi32>
      %parallel_loop3A_356 = arith.andi %parallel_loop3A_353, %parallel_loop3A_355 : vector<16xi32>
      %parallel_loop3A_357 = arith.constant 16 : i32
      %parallel_loop3A_358 = arith.muli %parallel_loop3A_345, %parallel_loop3A_357 : i32
      %parallel_loop3A_359 = arith.constant 2 : i32
      %parallel_loop3A_360 = arith.index_cast %parallel_loop3A_359 : i32 to index
      %parallel_loop3A_361 = arith.index_cast %parallel_loop3A_358 : i32 to index
      %parallel_loop3A_362 = tpu.vector_load %arg5[%parallel_loop3A_360, %parallel_loop3A_361] {strides = array<i32>} : memref<15x1024xi32, #tpu.memory_space<vmem>>, vector<16xi32>,
      tpu.vector_store %arg5[%parallel_loop3A_360, %parallel_loop3A_361], %parallel_loop3A_356 {strides = array<i32>} : memref<15x1024xi32, #tpu.memory_space<vmem>>, vector<16xi32>,
    } {sc.loop_unroll_factor = 8 : i64, sc.parallel_access}
    %parallel_loop3A_11 = arith.constant 0 : i32
    %parallel_loop3A_12 = arith.constant 64 : i32
    %parallel_loop3A_13 = arith.constant 1 : i32
    scf.for %parallel_loop3A_345 = %parallel_loop3A_11 to %parallel_loop3A_12 step %parallel_loop3A_13  : i32 {
      %parallel_loop3A_346 = arith.constant 16 : i32
      %parallel_loop3A_347 = arith.muli %parallel_loop3A_345, %parallel_loop3A_346 : i32
      %parallel_loop3A_348 = arith.addi %mul3A_2, %parallel_loop3A_347 : i32
      %parallel_loop3A_349 = vector.broadcast %parallel_loop3A_348 : i32 to vector<16xi32>
      %parallel_loop3A_350 = arith.addi %parallel_loop3A_349, %iota3A : vector<16xi32>
      %parallel_loop3A_351 = arith.constant 11 : i32
      %parallel_loop3A_352 = vector.broadcast %parallel_loop3A_351 : i32 to vector<16xi32>
      %parallel_loop3A_353 = arith.shrsi %parallel_loop3A_350, %parallel_loop3A_352 : vector<16xi32>
      %parallel_loop3A_354 = arith.constant 1 : i32
      %parallel_loop3A_355 = vector.broadcast %parallel_loop3A_354 : i32 to vector<16xi32>
      %parallel_loop3A_356 = arith.andi %parallel_loop3A_353, %parallel_loop3A_355 : vector<16xi32>
      %parallel_loop3A_357 = arith.constant 16 : i32
      %parallel_loop3A_358 = arith.muli %parallel_loop3A_345, %parallel_loop3A_357 : i32
      %parallel_loop3A_359 = arith.constant 3 : i32
      %parallel_loop3A_360 = arith.index_cast %parallel_loop3A_359 : i32 to index
      %parallel_loop3A_361 = arith.index_cast %parallel_loop3A_358 : i32 to index
      %parallel_loop3A_362 = tpu.vector_load %arg5[%parallel_loop3A_360, %parallel_loop3A_361] {strides = array<i32>} : memref<15x1024xi32, #tpu.memory_space<vmem>>, vector<16xi32>,
      tpu.vector_store %arg5[%parallel_loop3A_360, %parallel_loop3A_361], %parallel_loop3A_356 {strides = array<i32>} : memref<15x1024xi32, #tpu.memory_space<vmem>>, vector<16xi32>,
    } {sc.loop_unroll_factor = 8 : i64, sc.parallel_access}
    %parallel_loop3A_14 = arith.constant 0 : i32
    %parallel_loop3A_15 = arith.constant 64 : i32
    %parallel_loop3A_16 = arith.constant 1 : i32
    scf.for %parallel_loop3A_345 = %parallel_loop3A_14 to %parallel_loop3A_15 step %parallel_loop3A_16  : i32 {
      %parallel_loop3A_346 = arith.constant 16 : i32
      %parallel_loop3A_347 = arith.muli %parallel_loop3A_345, %parallel_loop3A_346 : i32
      %parallel_loop3A_348 = arith.addi %mul3A_2, %parallel_loop3A_347 : i32
      %parallel_loop3A_349 = vector.broadcast %parallel_loop3A_348 : i32 to vector<16xi32>
      %parallel_loop3A_350 = arith.addi %parallel_loop3A_349, %iota3A : vector<16xi32>
      %parallel_loop3A_351 = arith.constant 10 : i32
      %parallel_loop3A_352 = vector.broadcast %parallel_loop3A_351 : i32 to vector<16xi32>
      %parallel_loop3A_353 = arith.shrsi %parallel_loop3A_350, %parallel_loop3A_352 : vector<16xi32>
      %parallel_loop3A_354 = arith.constant 1 : i32
      %parallel_loop3A_355 = vector.broadcast %parallel_loop3A_354 : i32 to vector<16xi32>
      %parallel_loop3A_356 = arith.andi %parallel_loop3A_353, %parallel_loop3A_355 : vector<16xi32>
      %parallel_loop3A_357 = arith.constant 16 : i32
      %parallel_loop3A_358 = arith.muli %parallel_loop3A_345, %parallel_loop3A_357 : i32
      %parallel_loop3A_359 = arith.constant 4 : i32
      %parallel_loop3A_360 = arith.index_cast %parallel_loop3A_359 : i32 to index
      %parallel_loop3A_361 = arith.index_cast %parallel_loop3A_358 : i32 to index
      %parallel_loop3A_362 = tpu.vector_load %arg5[%parallel_loop3A_360, %parallel_loop3A_361] {strides = array<i32>} : memref<15x1024xi32, #tpu.memory_space<vmem>>, vector<16xi32>,
      tpu.vector_store %arg5[%parallel_loop3A_360, %parallel_loop3A_361], %parallel_loop3A_356 {strides = array<i32>} : memref<15x1024xi32, #tpu.memory_space<vmem>>, vector<16xi32>,
    } {sc.loop_unroll_factor = 8 : i64, sc.parallel_access}
    %parallel_loop3A_17 = arith.constant 0 : i32
    %parallel_loop3A_18 = arith.constant 64 : i32
    %parallel_loop3A_19 = arith.constant 1 : i32
    scf.for %parallel_loop3A_345 = %parallel_loop3A_17 to %parallel_loop3A_18 step %parallel_loop3A_19  : i32 {
      %parallel_loop3A_346 = arith.constant 16 : i32
      %parallel_loop3A_347 = arith.muli %parallel_loop3A_345, %parallel_loop3A_346 : i32
      %parallel_loop3A_348 = arith.addi %mul3A_2, %parallel_loop3A_347 : i32
      %parallel_loop3A_349 = vector.broadcast %parallel_loop3A_348 : i32 to vector<16xi32>
      %parallel_loop3A_350 = arith.addi %parallel_loop3A_349, %iota3A : vector<16xi32>
      %parallel_loop3A_351 = arith.constant 9 : i32
      %parallel_loop3A_352 = vector.broadcast %parallel_loop3A_351 : i32 to vector<16xi32>
      %parallel_loop3A_353 = arith.shrsi %parallel_loop3A_350, %parallel_loop3A_352 : vector<16xi32>
      %parallel_loop3A_354 = arith.constant 1 : i32
      %parallel_loop3A_355 = vector.broadcast %parallel_loop3A_354 : i32 to vector<16xi32>
      %parallel_loop3A_356 = arith.andi %parallel_loop3A_353, %parallel_loop3A_355 : vector<16xi32>
      %parallel_loop3A_357 = arith.constant 16 : i32
      %parallel_loop3A_358 = arith.muli %parallel_loop3A_345, %parallel_loop3A_357 : i32
      %parallel_loop3A_359 = arith.constant 5 : i32
      %parallel_loop3A_360 = arith.index_cast %parallel_loop3A_359 : i32 to index
      %parallel_loop3A_361 = arith.index_cast %parallel_loop3A_358 : i32 to index
      %parallel_loop3A_362 = tpu.vector_load %arg5[%parallel_loop3A_360, %parallel_loop3A_361] {strides = array<i32>} : memref<15x1024xi32, #tpu.memory_space<vmem>>, vector<16xi32>,
      tpu.vector_store %arg5[%parallel_loop3A_360, %parallel_loop3A_361], %parallel_loop3A_356 {strides = array<i32>} : memref<15x1024xi32, #tpu.memory_space<vmem>>, vector<16xi32>,
    } {sc.loop_unroll_factor = 8 : i64, sc.parallel_access}
    %parallel_loop3A_20 = arith.constant 0 : i32
    %parallel_loop3A_21 = arith.constant 64 : i32
    %parallel_loop3A_22 = arith.constant 1 : i32
    scf.for %parallel_loop3A_345 = %parallel_loop3A_20 to %parallel_loop3A_21 step %parallel_loop3A_22  : i32 {
      %parallel_loop3A_346 = arith.constant 16 : i32
      %parallel_loop3A_347 = arith.muli %parallel_loop3A_345, %parallel_loop3A_346 : i32
      %parallel_loop3A_348 = arith.addi %mul3A_2, %parallel_loop3A_347 : i32
      %parallel_loop3A_349 = vector.broadcast %parallel_loop3A_348 : i32 to vector<16xi32>
      %parallel_loop3A_350 = arith.addi %parallel_loop3A_349, %iota3A : vector<16xi32>
      %parallel_loop3A_351 = arith.constant 8 : i32
      %parallel_loop3A_352 = vector.broadcast %parallel_loop3A_351 : i32 to vector<16xi32>
      %parallel_loop3A_353 = arith.shrsi %parallel_loop3A_350, %parallel_loop3A_352 : vector<16xi32>
      %parallel_loop3A_354 = arith.constant 1 : i32
      %parallel_loop3A_355 = vector.broadcast %parallel_loop3A_354 : i32 to vector<16xi32>
      %parallel_loop3A_356 = arith.andi %parallel_loop3A_353, %parallel_loop3A_355 : vector<16xi32>
      %parallel_loop3A_357 = arith.constant 16 : i32
      %parallel_loop3A_358 = arith.muli %parallel_loop3A_345, %parallel_loop3A_357 : i32
      %parallel_loop3A_359 = arith.constant 6 : i32
      %parallel_loop3A_360 = arith.index_cast %parallel_loop3A_359 : i32 to index
      %parallel_loop3A_361 = arith.index_cast %parallel_loop3A_358 : i32 to index
      %parallel_loop3A_362 = tpu.vector_load %arg5[%parallel_loop3A_360, %parallel_loop3A_361] {strides = array<i32>} : memref<15x1024xi32, #tpu.memory_space<vmem>>, vector<16xi32>,
      tpu.vector_store %arg5[%parallel_loop3A_360, %parallel_loop3A_361], %parallel_loop3A_356 {strides = array<i32>} : memref<15x1024xi32, #tpu.memory_space<vmem>>, vector<16xi32>,
    } {sc.loop_unroll_factor = 8 : i64, sc.parallel_access}
    %parallel_loop3A_23 = arith.constant 0 : i32
    %parallel_loop3A_24 = arith.constant 64 : i32
    %parallel_loop3A_25 = arith.constant 1 : i32
    scf.for %parallel_loop3A_345 = %parallel_loop3A_23 to %parallel_loop3A_24 step %parallel_loop3A_25  : i32 {
      %parallel_loop3A_346 = arith.constant 16 : i32
      %parallel_loop3A_347 = arith.muli %parallel_loop3A_345, %parallel_loop3A_346 : i32
      %parallel_loop3A_348 = arith.addi %mul3A_2, %parallel_loop3A_347 : i32
      %parallel_loop3A_349 = vector.broadcast %parallel_loop3A_348 : i32 to vector<16xi32>
      %parallel_loop3A_350 = arith.addi %parallel_loop3A_349, %iota3A : vector<16xi32>
      %parallel_loop3A_351 = arith.constant 7 : i32
      %parallel_loop3A_352 = vector.broadcast %parallel_loop3A_351 : i32 to vector<16xi32>
      %parallel_loop3A_353 = arith.shrsi %parallel_loop3A_350, %parallel_loop3A_352 : vector<16xi32>
      %parallel_loop3A_354 = arith.constant 1 : i32
      %parallel_loop3A_355 = vector.broadcast %parallel_loop3A_354 : i32 to vector<16xi32>
      %parallel_loop3A_356 = arith.andi %parallel_loop3A_353, %parallel_loop3A_355 : vector<16xi32>
      %parallel_loop3A_357 = arith.constant 16 : i32
      %parallel_loop3A_358 = arith.muli %parallel_loop3A_345, %parallel_loop3A_357 : i32
      %parallel_loop3A_359 = arith.constant 7 : i32
      %parallel_loop3A_360 = arith.index_cast %parallel_loop3A_359 : i32 to index
      %parallel_loop3A_361 = arith.index_cast %parallel_loop3A_358 : i32 to index
      %parallel_loop3A_362 = tpu.vector_load %arg5[%parallel_loop3A_360, %parallel_loop3A_361] {strides = array<i32>} : memref<15x1024xi32, #tpu.memory_space<vmem>>, vector<16xi32>,
      tpu.vector_store %arg5[%parallel_loop3A_360, %parallel_loop3A_361], %parallel_loop3A_356 {strides = array<i32>} : memref<15x1024xi32, #tpu.memory_space<vmem>>, vector<16xi32>,
    } {sc.loop_unroll_factor = 8 : i64, sc.parallel_access}
    %parallel_loop3A_26 = arith.constant 0 : i32
    %parallel_loop3A_27 = arith.constant 64 : i32
    %parallel_loop3A_28 = arith.constant 1 : i32
    scf.for %parallel_loop3A_345 = %parallel_loop3A_26 to %parallel_loop3A_27 step %parallel_loop3A_28  : i32 {
      %parallel_loop3A_346 = arith.constant 16 : i32
      %parallel_loop3A_347 = arith.muli %parallel_loop3A_345, %parallel_loop3A_346 : i32
      %parallel_loop3A_348 = arith.addi %mul3A_2, %parallel_loop3A_347 : i32
      %parallel_loop3A_349 = vector.broadcast %parallel_loop3A_348 : i32 to vector<16xi32>
      %parallel_loop3A_350 = arith.addi %parallel_loop3A_349, %iota3A : vector<16xi32>
      %parallel_loop3A_351 = arith.constant 6 : i32
      %parallel_loop3A_352 = vector.broadcast %parallel_loop3A_351 : i32 to vector<16xi32>
      %parallel_loop3A_353 = arith.shrsi %parallel_loop3A_350, %parallel_loop3A_352 : vector<16xi32>
      %parallel_loop3A_354 = arith.constant 1 : i32
      %parallel_loop3A_355 = vector.broadcast %parallel_loop3A_354 : i32 to vector<16xi32>
      %parallel_loop3A_356 = arith.andi %parallel_loop3A_353, %parallel_loop3A_355 : vector<16xi32>
      %parallel_loop3A_357 = arith.constant 16 : i32
      %parallel_loop3A_358 = arith.muli %parallel_loop3A_345, %parallel_loop3A_357 : i32
      %parallel_loop3A_359 = arith.constant 8 : i32
      %parallel_loop3A_360 = arith.index_cast %parallel_loop3A_359 : i32 to index
      %parallel_loop3A_361 = arith.index_cast %parallel_loop3A_358 : i32 to index
      %parallel_loop3A_362 = tpu.vector_load %arg5[%parallel_loop3A_360, %parallel_loop3A_361] {strides = array<i32>} : memref<15x1024xi32, #tpu.memory_space<vmem>>, vector<16xi32>,
      tpu.vector_store %arg5[%parallel_loop3A_360, %parallel_loop3A_361], %parallel_loop3A_356 {strides = array<i32>} : memref<15x1024xi32, #tpu.memory_space<vmem>>, vector<16xi32>,
    } {sc.loop_unroll_factor = 8 : i64, sc.parallel_access}
    %parallel_loop3A_29 = arith.constant 0 : i32
    %parallel_loop3A_30 = arith.constant 64 : i32
    %parallel_loop3A_31 = arith.constant 1 : i32
    scf.for %parallel_loop3A_345 = %parallel_loop3A_29 to %parallel_loop3A_30 step %parallel_loop3A_31  : i32 {
      %parallel_loop3A_346 = arith.constant 16 : i32
      %parallel_loop3A_347 = arith.muli %parallel_loop3A_345, %parallel_loop3A_346 : i32
      %parallel_loop3A_348 = arith.addi %mul3A_2, %parallel_loop3A_347 : i32
      %parallel_loop3A_349 = vector.broadcast %parallel_loop3A_348 : i32 to vector<16xi32>
      %parallel_loop3A_350 = arith.addi %parallel_loop3A_349, %iota3A : vector<16xi32>
      %parallel_loop3A_351 = arith.constant 5 : i32
      %parallel_loop3A_352 = vector.broadcast %parallel_loop3A_351 : i32 to vector<16xi32>
      %parallel_loop3A_353 = arith.shrsi %parallel_loop3A_350, %parallel_loop3A_352 : vector<16xi32>
      %parallel_loop3A_354 = arith.constant 1 : i32
      %parallel_loop3A_355 = vector.broadcast %parallel_loop3A_354 : i32 to vector<16xi32>
      %parallel_loop3A_356 = arith.andi %parallel_loop3A_353, %parallel_loop3A_355 : vector<16xi32>
      %parallel_loop3A_357 = arith.constant 16 : i32
      %parallel_loop3A_358 = arith.muli %parallel_loop3A_345, %parallel_loop3A_357 : i32
      %parallel_loop3A_359 = arith.constant 9 : i32
      %parallel_loop3A_360 = arith.index_cast %parallel_loop3A_359 : i32 to index
      %parallel_loop3A_361 = arith.index_cast %parallel_loop3A_358 : i32 to index
      %parallel_loop3A_362 = tpu.vector_load %arg5[%parallel_loop3A_360, %parallel_loop3A_361] {strides = array<i32>} : memref<15x1024xi32, #tpu.memory_space<vmem>>, vector<16xi32>,
      tpu.vector_store %arg5[%parallel_loop3A_360, %parallel_loop3A_361], %parallel_loop3A_356 {strides = array<i32>} : memref<15x1024xi32, #tpu.memory_space<vmem>>, vector<16xi32>,
    } {sc.loop_unroll_factor = 8 : i64, sc.parallel_access}
    %parallel_loop3A_32 = arith.constant 0 : i32
    %parallel_loop3A_33 = arith.constant 64 : i32
    %parallel_loop3A_34 = arith.constant 1 : i32
    scf.for %parallel_loop3A_345 = %parallel_loop3A_32 to %parallel_loop3A_33 step %parallel_loop3A_34  : i32 {
      %parallel_loop3A_346 = arith.constant 16 : i32
      %parallel_loop3A_347 = arith.muli %parallel_loop3A_345, %parallel_loop3A_346 : i32
      %parallel_loop3A_348 = arith.addi %mul3A_2, %parallel_loop3A_347 : i32
      %parallel_loop3A_349 = vector.broadcast %parallel_loop3A_348 : i32 to vector<16xi32>
      %parallel_loop3A_350 = arith.addi %parallel_loop3A_349, %iota3A : vector<16xi32>
      %parallel_loop3A_351 = arith.constant 4 : i32
      %parallel_loop3A_352 = vector.broadcast %parallel_loop3A_351 : i32 to vector<16xi32>
      %parallel_loop3A_353 = arith.shrsi %parallel_loop3A_350, %parallel_loop3A_352 : vector<16xi32>
      %parallel_loop3A_354 = arith.constant 1 : i32
      %parallel_loop3A_355 = vector.broadcast %parallel_loop3A_354 : i32 to vector<16xi32>
      %parallel_loop3A_356 = arith.andi %parallel_loop3A_353, %parallel_loop3A_355 : vector<16xi32>
      %parallel_loop3A_357 = arith.constant 16 : i32
      %parallel_loop3A_358 = arith.muli %parallel_loop3A_345, %parallel_loop3A_357 : i32
      %parallel_loop3A_359 = arith.constant 10 : i32
      %parallel_loop3A_360 = arith.index_cast %parallel_loop3A_359 : i32 to index
      %parallel_loop3A_361 = arith.index_cast %parallel_loop3A_358 : i32 to index
      %parallel_loop3A_362 = tpu.vector_load %arg5[%parallel_loop3A_360, %parallel_loop3A_361] {strides = array<i32>} : memref<15x1024xi32, #tpu.memory_space<vmem>>, vector<16xi32>,
      tpu.vector_store %arg5[%parallel_loop3A_360, %parallel_loop3A_361], %parallel_loop3A_356 {strides = array<i32>} : memref<15x1024xi32, #tpu.memory_space<vmem>>, vector<16xi32>,
    } {sc.loop_unroll_factor = 8 : i64, sc.parallel_access}
    %parallel_loop3A_35 = arith.constant 0 : i32
    %parallel_loop3A_36 = arith.constant 64 : i32
    %parallel_loop3A_37 = arith.constant 1 : i32
    scf.for %parallel_loop3A_345 = %parallel_loop3A_35 to %parallel_loop3A_36 step %parallel_loop3A_37  : i32 {
      %parallel_loop3A_346 = arith.constant 16 : i32
      %parallel_loop3A_347 = arith.muli %parallel_loop3A_345, %parallel_loop3A_346 : i32
      %parallel_loop3A_348 = arith.addi %mul3A_2, %parallel_loop3A_347 : i32
      %parallel_loop3A_349 = vector.broadcast %parallel_loop3A_348 : i32 to vector<16xi32>
      %parallel_loop3A_350 = arith.addi %parallel_loop3A_349, %iota3A : vector<16xi32>
      %parallel_loop3A_351 = arith.constant 3 : i32
      %parallel_loop3A_352 = vector.broadcast %parallel_loop3A_351 : i32 to vector<16xi32>
      %parallel_loop3A_353 = arith.shrsi %parallel_loop3A_350, %parallel_loop3A_352 : vector<16xi32>
      %parallel_loop3A_354 = arith.constant 1 : i32
      %parallel_loop3A_355 = vector.broadcast %parallel_loop3A_354 : i32 to vector<16xi32>
      %parallel_loop3A_356 = arith.andi %parallel_loop3A_353, %parallel_loop3A_355 : vector<16xi32>
      %parallel_loop3A_357 = arith.constant 16 : i32
      %parallel_loop3A_358 = arith.muli %parallel_loop3A_345, %parallel_loop3A_357 : i32
      %parallel_loop3A_359 = arith.constant 11 : i32
      %parallel_loop3A_360 = arith.index_cast %parallel_loop3A_359 : i32 to index
      %parallel_loop3A_361 = arith.index_cast %parallel_loop3A_358 : i32 to index
      %parallel_loop3A_362 = tpu.vector_load %arg5[%parallel_loop3A_360, %parallel_loop3A_361] {strides = array<i32>} : memref<15x1024xi32, #tpu.memory_space<vmem>>, vector<16xi32>,
      tpu.vector_store %arg5[%parallel_loop3A_360, %parallel_loop3A_361], %parallel_loop3A_356 {strides = array<i32>} : memref<15x1024xi32, #tpu.memory_space<vmem>>, vector<16xi32>,
    } {sc.loop_unroll_factor = 8 : i64, sc.parallel_access}
    %parallel_loop3A_38 = arith.constant 0 : i32
    %parallel_loop3A_39 = arith.constant 64 : i32
    %parallel_loop3A_40 = arith.constant 1 : i32
    scf.for %parallel_loop3A_345 = %parallel_loop3A_38 to %parallel_loop3A_39 step %parallel_loop3A_40  : i32 {
      %parallel_loop3A_346 = arith.constant 16 : i32
      %parallel_loop3A_347 = arith.muli %parallel_loop3A_345, %parallel_loop3A_346 : i32
      %parallel_loop3A_348 = arith.addi %mul3A_2, %parallel_loop3A_347 : i32
      %parallel_loop3A_349 = vector.broadcast %parallel_loop3A_348 : i32 to vector<16xi32>
      %parallel_loop3A_350 = arith.addi %parallel_loop3A_349, %iota3A : vector<16xi32>
      %parallel_loop3A_351 = arith.constant 2 : i32
      %parallel_loop3A_352 = vector.broadcast %parallel_loop3A_351 : i32 to vector<16xi32>
      %parallel_loop3A_353 = arith.shrsi %parallel_loop3A_350, %parallel_loop3A_352 : vector<16xi32>
      %parallel_loop3A_354 = arith.constant 1 : i32
      %parallel_loop3A_355 = vector.broadcast %parallel_loop3A_354 : i32 to vector<16xi32>
      %parallel_loop3A_356 = arith.andi %parallel_loop3A_353, %parallel_loop3A_355 : vector<16xi32>
      %parallel_loop3A_357 = arith.constant 16 : i32
      %parallel_loop3A_358 = arith.muli %parallel_loop3A_345, %parallel_loop3A_357 : i32
      %parallel_loop3A_359 = arith.constant 12 : i32
      %parallel_loop3A_360 = arith.index_cast %parallel_loop3A_359 : i32 to index
      %parallel_loop3A_361 = arith.index_cast %parallel_loop3A_358 : i32 to index
      %parallel_loop3A_362 = tpu.vector_load %arg5[%parallel_loop3A_360, %parallel_loop3A_361] {strides = array<i32>} : memref<15x1024xi32, #tpu.memory_space<vmem>>, vector<16xi32>,
      tpu.vector_store %arg5[%parallel_loop3A_360, %parallel_loop3A_361], %parallel_loop3A_356 {strides = array<i32>} : memref<15x1024xi32, #tpu.memory_space<vmem>>, vector<16xi32>,
    } {sc.loop_unroll_factor = 8 : i64, sc.parallel_access}
    %parallel_loop3A_41 = arith.constant 0 : i32
    %parallel_loop3A_42 = arith.constant 64 : i32
    %parallel_loop3A_43 = arith.constant 1 : i32
    scf.for %parallel_loop3A_345 = %parallel_loop3A_41 to %parallel_loop3A_42 step %parallel_loop3A_43  : i32 {
      %parallel_loop3A_346 = arith.constant 16 : i32
      %parallel_loop3A_347 = arith.muli %parallel_loop3A_345, %parallel_loop3A_346 : i32
      %parallel_loop3A_348 = arith.addi %mul3A_2, %parallel_loop3A_347 : i32
      %parallel_loop3A_349 = vector.broadcast %parallel_loop3A_348 : i32 to vector<16xi32>
      %parallel_loop3A_350 = arith.addi %parallel_loop3A_349, %iota3A : vector<16xi32>
      %parallel_loop3A_351 = arith.constant 1 : i32
      %parallel_loop3A_352 = vector.broadcast %parallel_loop3A_351 : i32 to vector<16xi32>
      %parallel_loop3A_353 = arith.shrsi %parallel_loop3A_350, %parallel_loop3A_352 : vector<16xi32>
      %parallel_loop3A_354 = arith.constant 1 : i32
      %parallel_loop3A_355 = vector.broadcast %parallel_loop3A_354 : i32 to vector<16xi32>
      %parallel_loop3A_356 = arith.andi %parallel_loop3A_353, %parallel_loop3A_355 : vector<16xi32>
      %parallel_loop3A_357 = arith.constant 16 : i32
      %parallel_loop3A_358 = arith.muli %parallel_loop3A_345, %parallel_loop3A_357 : i32
      %parallel_loop3A_359 = arith.constant 13 : i32
      %parallel_loop3A_360 = arith.index_cast %parallel_loop3A_359 : i32 to index
      %parallel_loop3A_361 = arith.index_cast %parallel_loop3A_358 : i32 to index
      %parallel_loop3A_362 = tpu.vector_load %arg5[%parallel_loop3A_360, %parallel_loop3A_361] {strides = array<i32>} : memref<15x1024xi32, #tpu.memory_space<vmem>>, vector<16xi32>,
      tpu.vector_store %arg5[%parallel_loop3A_360, %parallel_loop3A_361], %parallel_loop3A_356 {strides = array<i32>} : memref<15x1024xi32, #tpu.memory_space<vmem>>, vector<16xi32>,
    } {sc.loop_unroll_factor = 8 : i64, sc.parallel_access}
    %parallel_loop3A_44 = arith.constant 0 : i32
    %parallel_loop3A_45 = arith.constant 64 : i32
    %parallel_loop3A_46 = arith.constant 1 : i32
    scf.for %parallel_loop3A_345 = %parallel_loop3A_44 to %parallel_loop3A_45 step %parallel_loop3A_46  : i32 {
      %parallel_loop3A_346 = arith.constant 16 : i32
      %parallel_loop3A_347 = arith.muli %parallel_loop3A_345, %parallel_loop3A_346 : i32
      %parallel_loop3A_348 = arith.addi %mul3A_2, %parallel_loop3A_347 : i32
      %parallel_loop3A_349 = vector.broadcast %parallel_loop3A_348 : i32 to vector<16xi32>
      %parallel_loop3A_350 = arith.addi %parallel_loop3A_349, %iota3A : vector<16xi32>
      %parallel_loop3A_351 = arith.constant 0 : i32
      %parallel_loop3A_352 = vector.broadcast %parallel_loop3A_351 : i32 to vector<16xi32>
      %parallel_loop3A_353 = arith.shrsi %parallel_loop3A_350, %parallel_loop3A_352 : vector<16xi32>
      %parallel_loop3A_354 = arith.constant 1 : i32
      %parallel_loop3A_355 = vector.broadcast %parallel_loop3A_354 : i32 to vector<16xi32>
      %parallel_loop3A_356 = arith.andi %parallel_loop3A_353, %parallel_loop3A_355 : vector<16xi32>
      %parallel_loop3A_357 = arith.constant 16 : i32
      %parallel_loop3A_358 = arith.muli %parallel_loop3A_345, %parallel_loop3A_357 : i32
      %parallel_loop3A_359 = arith.constant 14 : i32
      %parallel_loop3A_360 = arith.index_cast %parallel_loop3A_359 : i32 to index
      %parallel_loop3A_361 = arith.index_cast %parallel_loop3A_358 : i32 to index
      %parallel_loop3A_362 = tpu.vector_load %arg5[%parallel_loop3A_360, %parallel_loop3A_361] {strides = array<i32>} : memref<15x1024xi32, #tpu.memory_space<vmem>>, vector<16xi32>,
      tpu.vector_store %arg5[%parallel_loop3A_360, %parallel_loop3A_361], %parallel_loop3A_356 {strides = array<i32>} : memref<15x1024xi32, #tpu.memory_space<vmem>>, vector<16xi32>,
    } {sc.loop_unroll_factor = 8 : i64, sc.parallel_access}
    %dma_start3A = arith.constant 0 : i32
    %dma_start3A_47 = arith.constant 0 : i32
    %dma_start3A_48 = tpu.memref_slice %arg5[%dma_start3A, %dma_start3A_47] : memref<15x1024xi32, #tpu.memory_space<vmem>> -> memref<1x1024xi32, #tpu.memory_space<vmem>>
    %dma_start3A_49 = arith.constant 0 : i32
    %dma_start3A_50 = tpu.memref_slice %arg2[%dma_start3A_49, %mul3A_2] : memref<5x32768xi32, #tpu.memory_space<hbm>> -> memref<1x1024xi32, #tpu.memory_space<hbm>>
    %dma_start3A_51 = arith.constant 0 : i32
    %dma_start3A_52 = tpu.memref_slice %arg2[%dma_start3A_51, %mul3A_2] : memref<5x32768xi32, #tpu.memory_space<hbm>> -> memref<1x1024xi32, #tpu.memory_space<hbm>>
    %dma_start3A_53 = arith.constant 0 : i32
    %dma_start3A_54 = arith.constant 0 : i32
    %dma_start3A_55 = tpu.memref_slice %arg5[%dma_start3A_53, %dma_start3A_54] : memref<15x1024xi32, #tpu.memory_space<vmem>> -> memref<1x1024xi32, #tpu.memory_space<vmem>>
    tpu.enqueue_dma source(%dma_start3A_55 : memref<1x1024xi32, #tpu.memory_space<vmem>>) target(%dma_start3A_52 : memref<1x1024xi32, #tpu.memory_space<hbm>>) target_semaphore(%arg6 : memref<!tpu.dma_semaphore, #tpu.memory_space<semaphore_mem>>)
    %dma_start3A_56 = arith.constant 1 : i32
    %dma_start3A_57 = arith.constant 0 : i32
    %dma_start3A_58 = tpu.memref_slice %arg5[%dma_start3A_56, %dma_start3A_57] : memref<15x1024xi32, #tpu.memory_space<vmem>> -> memref<1x1024xi32, #tpu.memory_space<vmem>>
    %dma_start3A_59 = arith.constant 1 : i32
    %dma_start3A_60 = tpu.memref_slice %arg2[%dma_start3A_59, %mul3A_2] : memref<5x32768xi32, #tpu.memory_space<hbm>> -> memref<1x1024xi32, #tpu.memory_space<hbm>>
    %dma_start3A_61 = arith.constant 1 : i32
    %dma_start3A_62 = tpu.memref_slice %arg2[%dma_start3A_61, %mul3A_2] : memref<5x32768xi32, #tpu.memory_space<hbm>> -> memref<1x1024xi32, #tpu.memory_space<hbm>>
    %dma_start3A_63 = arith.constant 1 : i32
    %dma_start3A_64 = arith.constant 0 : i32
    %dma_start3A_65 = tpu.memref_slice %arg5[%dma_start3A_63, %dma_start3A_64] : memref<15x1024xi32, #tpu.memory_space<vmem>> -> memref<1x1024xi32, #tpu.memory_space<vmem>>
    tpu.enqueue_dma source(%dma_start3A_65 : memref<1x1024xi32, #tpu.memory_space<vmem>>) target(%dma_start3A_62 : memref<1x1024xi32, #tpu.memory_space<hbm>>) target_semaphore(%arg6 : memref<!tpu.dma_semaphore, #tpu.memory_space<semaphore_mem>>)
    %dma_start3A_66 = arith.constant 2 : i32
    %dma_start3A_67 = arith.constant 0 : i32
    %dma_start3A_68 = tpu.memref_slice %arg5[%dma_start3A_66, %dma_start3A_67] : memref<15x1024xi32, #tpu.memory_space<vmem>> -> memref<1x1024xi32, #tpu.memory_space<vmem>>
    %dma_start3A_69 = arith.constant 2 : i32
    %dma_start3A_70 = tpu.memref_slice %arg2[%dma_start3A_69, %mul3A_2] : memref<5x32768xi32, #tpu.memory_space<hbm>> -> memref<1x1024xi32, #tpu.memory_space<hbm>>
    %dma_start3A_71 = arith.constant 2 : i32
    %dma_start3A_72 = tpu.memref_slice %arg2[%dma_start3A_71, %mul3A_2] : memref<5x32768xi32, #tpu.memory_space<hbm>> -> memref<1x1024xi32, #tpu.memory_space<hbm>>
    %dma_start3A_73 = arith.constant 2 : i32
    %dma_start3A_74 = arith.constant 0 : i32
    %dma_start3A_75 = tpu.memref_slice %arg5[%dma_start3A_73, %dma_start3A_74] : memref<15x1024xi32, #tpu.memory_space<vmem>> -> memref<1x1024xi32, #tpu.memory_space<vmem>>
    tpu.enqueue_dma source(%dma_start3A_75 : memref<1x1024xi32, #tpu.memory_space<vmem>>) target(%dma_start3A_72 : memref<1x1024xi32, #tpu.memory_space<hbm>>) target_semaphore(%arg6 : memref<!tpu.dma_semaphore, #tpu.memory_space<semaphore_mem>>)
    %dma_start3A_76 = arith.constant 3 : i32
    %dma_start3A_77 = arith.constant 0 : i32
    %dma_start3A_78 = tpu.memref_slice %arg5[%dma_start3A_76, %dma_start3A_77] : memref<15x1024xi32, #tpu.memory_space<vmem>> -> memref<1x1024xi32, #tpu.memory_space<vmem>>
    %dma_start3A_79 = arith.constant 3 : i32
    %dma_start3A_80 = tpu.memref_slice %arg2[%dma_start3A_79, %mul3A_2] : memref<5x32768xi32, #tpu.memory_space<hbm>> -> memref<1x1024xi32, #tpu.memory_space<hbm>>
    %dma_start3A_81 = arith.constant 3 : i32
    %dma_start3A_82 = tpu.memref_slice %arg2[%dma_start3A_81, %mul3A_2] : memref<5x32768xi32, #tpu.memory_space<hbm>> -> memref<1x1024xi32, #tpu.memory_space<hbm>>
    %dma_start3A_83 = arith.constant 3 : i32
    %dma_start3A_84 = arith.constant 0 : i32
    %dma_start3A_85 = tpu.memref_slice %arg5[%dma_start3A_83, %dma_start3A_84] : memref<15x1024xi32, #tpu.memory_space<vmem>> -> memref<1x1024xi32, #tpu.memory_space<vmem>>
    tpu.enqueue_dma source(%dma_start3A_85 : memref<1x1024xi32, #tpu.memory_space<vmem>>) target(%dma_start3A_82 : memref<1x1024xi32, #tpu.memory_space<hbm>>) target_semaphore(%arg6 : memref<!tpu.dma_semaphore, #tpu.memory_space<semaphore_mem>>)
    %dma_start3A_86 = arith.constant 4 : i32
    %dma_start3A_87 = arith.constant 0 : i32
    %dma_start3A_88 = tpu.memref_slice %arg5[%dma_start3A_86, %dma_start3A_87] : memref<15x1024xi32, #tpu.memory_space<vmem>> -> memref<1x1024xi32, #tpu.memory_space<vmem>>
    %dma_start3A_89 = arith.constant 4 : i32
    %dma_start3A_90 = tpu.memref_slice %arg2[%dma_start3A_89, %mul3A_2] : memref<5x32768xi32, #tpu.memory_space<hbm>> -> memref<1x1024xi32, #tpu.memory_space<hbm>>
    %dma_start3A_91 = arith.constant 4 : i32
    %dma_start3A_92 = tpu.memref_slice %arg2[%dma_start3A_91, %mul3A_2] : memref<5x32768xi32, #tpu.memory_space<hbm>> -> memref<1x1024xi32, #tpu.memory_space<hbm>>
    %dma_start3A_93 = arith.constant 4 : i32
    %dma_start3A_94 = arith.constant 0 : i32
    %dma_start3A_95 = tpu.memref_slice %arg5[%dma_start3A_93, %dma_start3A_94] : memref<15x1024xi32, #tpu.memory_space<vmem>> -> memref<1x1024xi32, #tpu.memory_space<vmem>>
    tpu.enqueue_dma source(%dma_start3A_95 : memref<1x1024xi32, #tpu.memory_space<vmem>>) target(%dma_start3A_92 : memref<1x1024xi32, #tpu.memory_space<hbm>>) target_semaphore(%arg6 : memref<!tpu.dma_semaphore, #tpu.memory_space<semaphore_mem>>)
    %dma_start3A_96 = arith.constant 5 : i32
    %dma_start3A_97 = arith.constant 0 : i32
    %dma_start3A_98 = tpu.memref_slice %arg5[%dma_start3A_96, %dma_start3A_97] : memref<15x1024xi32, #tpu.memory_space<vmem>> -> memref<1x1024xi32, #tpu.memory_space<vmem>>
    %dma_start3A_99 = arith.constant 0 : i32
    %dma_start3A_100 = tpu.memref_slice %arg3[%dma_start3A_99, %mul3A_2] : memref<5x32768xi32, #tpu.memory_space<hbm>> -> memref<1x1024xi32, #tpu.memory_space<hbm>>
    %dma_start3A_101 = arith.constant 0 : i32
    %dma_start3A_102 = tpu.memref_slice %arg3[%dma_start3A_101, %mul3A_2] : memref<5x32768xi32, #tpu.memory_space<hbm>> -> memref<1x1024xi32, #tpu.memory_space<hbm>>
    %dma_start3A_103 = arith.constant 5 : i32
    %dma_start3A_104 = arith.constant 0 : i32
    %dma_start3A_105 = tpu.memref_slice %arg5[%dma_start3A_103, %dma_start3A_104] : memref<15x1024xi32, #tpu.memory_space<vmem>> -> memref<1x1024xi32, #tpu.memory_space<vmem>>
    tpu.enqueue_dma source(%dma_start3A_105 : memref<1x1024xi32, #tpu.memory_space<vmem>>) target(%dma_start3A_102 : memref<1x1024xi32, #tpu.memory_space<hbm>>) target_semaphore(%arg6 : memref<!tpu.dma_semaphore, #tpu.memory_space<semaphore_mem>>)
    %dma_start3A_106 = arith.constant 6 : i32
    %dma_start3A_107 = arith.constant 0 : i32
    %dma_start3A_108 = tpu.memref_slice %arg5[%dma_start3A_106, %dma_start3A_107] : memref<15x1024xi32, #tpu.memory_space<vmem>> -> memref<1x1024xi32, #tpu.memory_space<vmem>>
    %dma_start3A_109 = arith.constant 1 : i32
    %dma_start3A_110 = tpu.memref_slice %arg3[%dma_start3A_109, %mul3A_2] : memref<5x32768xi32, #tpu.memory_space<hbm>> -> memref<1x1024xi32, #tpu.memory_space<hbm>>
    %dma_start3A_111 = arith.constant 1 : i32
    %dma_start3A_112 = tpu.memref_slice %arg3[%dma_start3A_111, %mul3A_2] : memref<5x32768xi32, #tpu.memory_space<hbm>> -> memref<1x1024xi32, #tpu.memory_space<hbm>>
    %dma_start3A_113 = arith.constant 6 : i32
    %dma_start3A_114 = arith.constant 0 : i32
    %dma_start3A_115 = tpu.memref_slice %arg5[%dma_start3A_113, %dma_start3A_114] : memref<15x1024xi32, #tpu.memory_space<vmem>> -> memref<1x1024xi32, #tpu.memory_space<vmem>>
    tpu.enqueue_dma source(%dma_start3A_115 : memref<1x1024xi32, #tpu.memory_space<vmem>>) target(%dma_start3A_112 : memref<1x1024xi32, #tpu.memory_space<hbm>>) target_semaphore(%arg6 : memref<!tpu.dma_semaphore, #tpu.memory_space<semaphore_mem>>)
    %dma_start3A_116 = arith.constant 7 : i32
    %dma_start3A_117 = arith.constant 0 : i32
    %dma_start3A_118 = tpu.memref_slice %arg5[%dma_start3A_116, %dma_start3A_117] : memref<15x1024xi32, #tpu.memory_space<vmem>> -> memref<1x1024xi32, #tpu.memory_space<vmem>>
    %dma_start3A_119 = arith.constant 2 : i32
    %dma_start3A_120 = tpu.memref_slice %arg3[%dma_start3A_119, %mul3A_2] : memref<5x32768xi32, #tpu.memory_space<hbm>> -> memref<1x1024xi32, #tpu.memory_space<hbm>>
    %dma_start3A_121 = arith.constant 2 : i32
    %dma_start3A_122 = tpu.memref_slice %arg3[%dma_start3A_121, %mul3A_2] : memref<5x32768xi32, #tpu.memory_space<hbm>> -> memref<1x1024xi32, #tpu.memory_space<hbm>>
    %dma_start3A_123 = arith.constant 7 : i32
    %dma_start3A_124 = arith.constant 0 : i32
    %dma_start3A_125 = tpu.memref_slice %arg5[%dma_start3A_123, %dma_start3A_124] : memref<15x1024xi32, #tpu.memory_space<vmem>> -> memref<1x1024xi32, #tpu.memory_space<vmem>>
    tpu.enqueue_dma source(%dma_start3A_125 : memref<1x1024xi32, #tpu.memory_space<vmem>>) target(%dma_start3A_122 : memref<1x1024xi32, #tpu.memory_space<hbm>>) target_semaphore(%arg6 : memref<!tpu.dma_semaphore, #tpu.memory_space<semaphore_mem>>)
    %dma_start3A_126 = arith.constant 8 : i32
    %dma_start3A_127 = arith.constant 0 : i32
    %dma_start3A_128 = tpu.memref_slice %arg5[%dma_start3A_126, %dma_start3A_127] : memref<15x1024xi32, #tpu.memory_space<vmem>> -> memref<1x1024xi32, #tpu.memory_space<vmem>>
    %dma_start3A_129 = arith.constant 3 : i32
    %dma_start3A_130 = tpu.memref_slice %arg3[%dma_start3A_129, %mul3A_2] : memref<5x32768xi32, #tpu.memory_space<hbm>> -> memref<1x1024xi32, #tpu.memory_space<hbm>>
    %dma_start3A_131 = arith.constant 3 : i32
    %dma_start3A_132 = tpu.memref_slice %arg3[%dma_start3A_131, %mul3A_2] : memref<5x32768xi32, #tpu.memory_space<hbm>> -> memref<1x1024xi32, #tpu.memory_space<hbm>>
    %dma_start3A_133 = arith.constant 8 : i32
    %dma_start3A_134 = arith.constant 0 : i32
    %dma_start3A_135 = tpu.memref_slice %arg5[%dma_start3A_133, %dma_start3A_134] : memref<15x1024xi32, #tpu.memory_space<vmem>> -> memref<1x1024xi32, #tpu.memory_space<vmem>>
    tpu.enqueue_dma source(%dma_start3A_135 : memref<1x1024xi32, #tpu.memory_space<vmem>>) target(%dma_start3A_132 : memref<1x1024xi32, #tpu.memory_space<hbm>>) target_semaphore(%arg6 : memref<!tpu.dma_semaphore, #tpu.memory_space<semaphore_mem>>)
    %dma_start3A_136 = arith.constant 9 : i32
    %dma_start3A_137 = arith.constant 0 : i32
    %dma_start3A_138 = tpu.memref_slice %arg5[%dma_start3A_136, %dma_start3A_137] : memref<15x1024xi32, #tpu.memory_space<vmem>> -> memref<1x1024xi32, #tpu.memory_space<vmem>>
    %dma_start3A_139 = arith.constant 4 : i32
    %dma_start3A_140 = tpu.memref_slice %arg3[%dma_start3A_139, %mul3A_2] : memref<5x32768xi32, #tpu.memory_space<hbm>> -> memref<1x1024xi32, #tpu.memory_space<hbm>>
    %dma_start3A_141 = arith.constant 4 : i32
    %dma_start3A_142 = tpu.memref_slice %arg3[%dma_start3A_141, %mul3A_2] : memref<5x32768xi32, #tpu.memory_space<hbm>> -> memref<1x1024xi32, #tpu.memory_space<hbm>>
    %dma_start3A_143 = arith.constant 9 : i32
    %dma_start3A_144 = arith.constant 0 : i32
    %dma_start3A_145 = tpu.memref_slice %arg5[%dma_start3A_143, %dma_start3A_144] : memref<15x1024xi32, #tpu.memory_space<vmem>> -> memref<1x1024xi32, #tpu.memory_space<vmem>>
    tpu.enqueue_dma source(%dma_start3A_145 : memref<1x1024xi32, #tpu.memory_space<vmem>>) target(%dma_start3A_142 : memref<1x1024xi32, #tpu.memory_space<hbm>>) target_semaphore(%arg6 : memref<!tpu.dma_semaphore, #tpu.memory_space<semaphore_mem>>)
    %dma_start3A_146 = arith.constant 10 : i32
    %dma_start3A_147 = arith.constant 0 : i32
    %dma_start3A_148 = tpu.memref_slice %arg5[%dma_start3A_146, %dma_start3A_147] : memref<15x1024xi32, #tpu.memory_space<vmem>> -> memref<1x1024xi32, #tpu.memory_space<vmem>>
    %dma_start3A_149 = arith.constant 0 : i32
    %dma_start3A_150 = tpu.memref_slice %arg4[%dma_start3A_149, %mul3A_2] : memref<5x32768xi32, #tpu.memory_space<hbm>> -> memref<1x1024xi32, #tpu.memory_space<hbm>>
    %dma_start3A_151 = arith.constant 0 : i32
    %dma_start3A_152 = tpu.memref_slice %arg4[%dma_start3A_151, %mul3A_2] : memref<5x32768xi32, #tpu.memory_space<hbm>> -> memref<1x1024xi32, #tpu.memory_space<hbm>>
    %dma_start3A_153 = arith.constant 10 : i32
    %dma_start3A_154 = arith.constant 0 : i32
    %dma_start3A_155 = tpu.memref_slice %arg5[%dma_start3A_153, %dma_start3A_154] : memref<15x1024xi32, #tpu.memory_space<vmem>> -> memref<1x1024xi32, #tpu.memory_space<vmem>>
    tpu.enqueue_dma source(%dma_start3A_155 : memref<1x1024xi32, #tpu.memory_space<vmem>>) target(%dma_start3A_152 : memref<1x1024xi32, #tpu.memory_space<hbm>>) target_semaphore(%arg6 : memref<!tpu.dma_semaphore, #tpu.memory_space<semaphore_mem>>)
    %dma_start3A_156 = arith.constant 11 : i32
    %dma_start3A_157 = arith.constant 0 : i32
    %dma_start3A_158 = tpu.memref_slice %arg5[%dma_start3A_156, %dma_start3A_157] : memref<15x1024xi32, #tpu.memory_space<vmem>> -> memref<1x1024xi32, #tpu.memory_space<vmem>>
    %dma_start3A_159 = arith.constant 1 : i32
    %dma_start3A_160 = tpu.memref_slice %arg4[%dma_start3A_159, %mul3A_2] : memref<5x32768xi32, #tpu.memory_space<hbm>> -> memref<1x1024xi32, #tpu.memory_space<hbm>>
    %dma_start3A_161 = arith.constant 1 : i32
    %dma_start3A_162 = tpu.memref_slice %arg4[%dma_start3A_161, %mul3A_2] : memref<5x32768xi32, #tpu.memory_space<hbm>> -> memref<1x1024xi32, #tpu.memory_space<hbm>>
    %dma_start3A_163 = arith.constant 11 : i32
    %dma_start3A_164 = arith.constant 0 : i32
    %dma_start3A_165 = tpu.memref_slice %arg5[%dma_start3A_163, %dma_start3A_164] : memref<15x1024xi32, #tpu.memory_space<vmem>> -> memref<1x1024xi32, #tpu.memory_space<vmem>>
    tpu.enqueue_dma source(%dma_start3A_165 : memref<1x1024xi32, #tpu.memory_space<vmem>>) target(%dma_start3A_162 : memref<1x1024xi32, #tpu.memory_space<hbm>>) target_semaphore(%arg6 : memref<!tpu.dma_semaphore, #tpu.memory_space<semaphore_mem>>)
    %dma_start3A_166 = arith.constant 12 : i32
    %dma_start3A_167 = arith.constant 0 : i32
    %dma_start3A_168 = tpu.memref_slice %arg5[%dma_start3A_166, %dma_start3A_167] : memref<15x1024xi32, #tpu.memory_space<vmem>> -> memref<1x1024xi32, #tpu.memory_space<vmem>>
    %dma_start3A_169 = arith.constant 2 : i32
    %dma_start3A_170 = tpu.memref_slice %arg4[%dma_start3A_169, %mul3A_2] : memref<5x32768xi32, #tpu.memory_space<hbm>> -> memref<1x1024xi32, #tpu.memory_space<hbm>>
    %dma_start3A_171 = arith.constant 2 : i32
    %dma_start3A_172 = tpu.memref_slice %arg4[%dma_start3A_171, %mul3A_2] : memref<5x32768xi32, #tpu.memory_space<hbm>> -> memref<1x1024xi32, #tpu.memory_space<hbm>>
    %dma_start3A_173 = arith.constant 12 : i32
    %dma_start3A_174 = arith.constant 0 : i32
    %dma_start3A_175 = tpu.memref_slice %arg5[%dma_start3A_173, %dma_start3A_174] : memref<15x1024xi32, #tpu.memory_space<vmem>> -> memref<1x1024xi32, #tpu.memory_space<vmem>>
    tpu.enqueue_dma source(%dma_start3A_175 : memref<1x1024xi32, #tpu.memory_space<vmem>>) target(%dma_start3A_172 : memref<1x1024xi32, #tpu.memory_space<hbm>>) target_semaphore(%arg6 : memref<!tpu.dma_semaphore, #tpu.memory_space<semaphore_mem>>)
    %dma_start3A_176 = arith.constant 13 : i32
    %dma_start3A_177 = arith.constant 0 : i32
    %dma_start3A_178 = tpu.memref_slice %arg5[%dma_start3A_176, %dma_start3A_177] : memref<15x1024xi32, #tpu.memory_space<vmem>> -> memref<1x1024xi32, #tpu.memory_space<vmem>>
    %dma_start3A_179 = arith.constant 3 : i32
    %dma_start3A_180 = tpu.memref_slice %arg4[%dma_start3A_179, %mul3A_2] : memref<5x32768xi32, #tpu.memory_space<hbm>> -> memref<1x1024xi32, #tpu.memory_space<hbm>>
    %dma_start3A_181 = arith.constant 3 : i32
    %dma_start3A_182 = tpu.memref_slice %arg4[%dma_start3A_181, %mul3A_2] : memref<5x32768xi32, #tpu.memory_space<hbm>> -> memref<1x1024xi32, #tpu.memory_space<hbm>>
    %dma_start3A_183 = arith.constant 13 : i32
    %dma_start3A_184 = arith.constant 0 : i32
    %dma_start3A_185 = tpu.memref_slice %arg5[%dma_start3A_183, %dma_start3A_184] : memref<15x1024xi32, #tpu.memory_space<vmem>> -> memref<1x1024xi32, #tpu.memory_space<vmem>>
    tpu.enqueue_dma source(%dma_start3A_185 : memref<1x1024xi32, #tpu.memory_space<vmem>>) target(%dma_start3A_182 : memref<1x1024xi32, #tpu.memory_space<hbm>>) target_semaphore(%arg6 : memref<!tpu.dma_semaphore, #tpu.memory_space<semaphore_mem>>)
    %dma_start3A_186 = arith.constant 14 : i32
    %dma_start3A_187 = arith.constant 0 : i32
    %dma_start3A_188 = tpu.memref_slice %arg5[%dma_start3A_186, %dma_start3A_187] : memref<15x1024xi32, #tpu.memory_space<vmem>> -> memref<1x1024xi32, #tpu.memory_space<vmem>>
    %dma_start3A_189 = arith.constant 4 : i32
    %dma_start3A_190 = tpu.memref_slice %arg4[%dma_start3A_189, %mul3A_2] : memref<5x32768xi32, #tpu.memory_space<hbm>> -> memref<1x1024xi32, #tpu.memory_space<hbm>>
    %dma_start3A_191 = arith.constant 4 : i32
    %dma_start3A_192 = tpu.memref_slice %arg4[%dma_start3A_191, %mul3A_2] : memref<5x32768xi32, #tpu.memory_space<hbm>> -> memref<1x1024xi32, #tpu.memory_space<hbm>>
    %dma_start3A_193 = arith.constant 14 : i32
    %dma_start3A_194 = arith.constant 0 : i32
    %dma_start3A_195 = tpu.memref_slice %arg5[%dma_start3A_193, %dma_start3A_194] : memref<15x1024xi32, #tpu.memory_space<vmem>> -> memref<1x1024xi32, #tpu.memory_space<vmem>>
    tpu.enqueue_dma source(%dma_start3A_195 : memref<1x1024xi32, #tpu.memory_space<vmem>>) target(%dma_start3A_192 : memref<1x1024xi32, #tpu.memory_space<hbm>>) target_semaphore(%arg6 : memref<!tpu.dma_semaphore, #tpu.memory_space<semaphore_mem>>)
    %dma_wait3A = arith.constant 0 : i32
    %dma_wait3A_196 = arith.constant 0 : i32
    %dma_wait3A_197 = tpu.memref_slice %arg5[%dma_wait3A, %dma_wait3A_196] : memref<15x1024xi32, #tpu.memory_space<vmem>> -> memref<1x1024xi32, #tpu.memory_space<vmem>>
    %dma_wait3A_198 = arith.constant 0 : i32
    %dma_wait3A_199 = tpu.memref_slice %arg2[%dma_wait3A_198, %mul3A_2] : memref<5x32768xi32, #tpu.memory_space<hbm>> -> memref<1x1024xi32, #tpu.memory_space<hbm>>
    %dma_wait3A_200 = arith.constant 0 : i32
    %dma_wait3A_201 = tpu.memref_slice %arg2[%dma_wait3A_200, %mul3A_2] : memref<5x32768xi32, #tpu.memory_space<hbm>> -> memref<1x1024xi32, #tpu.memory_space<hbm>>
    %dma_wait3A_202 = arith.constant 0 : i32
    %dma_wait3A_203 = arith.constant 0 : i32
    %dma_wait3A_204 = tpu.memref_slice %arg5[%dma_wait3A_202, %dma_wait3A_203] : memref<15x1024xi32, #tpu.memory_space<vmem>> -> memref<1x1024xi32, #tpu.memory_space<vmem>>
    tpu.wait_dma2 semaphore(%arg6 : memref<!tpu.dma_semaphore, #tpu.memory_space<semaphore_mem>>) src(%dma_wait3A_204 : memref<1x1024xi32, #tpu.memory_space<vmem>>) dst(%dma_wait3A_201 : memref<1x1024xi32, #tpu.memory_space<hbm>>)
    %dma_wait3A_205 = arith.constant 1 : i32
    %dma_wait3A_206 = arith.constant 0 : i32
    %dma_wait3A_207 = tpu.memref_slice %arg5[%dma_wait3A_205, %dma_wait3A_206] : memref<15x1024xi32, #tpu.memory_space<vmem>> -> memref<1x1024xi32, #tpu.memory_space<vmem>>
    %dma_wait3A_208 = arith.constant 1 : i32
    %dma_wait3A_209 = tpu.memref_slice %arg2[%dma_wait3A_208, %mul3A_2] : memref<5x32768xi32, #tpu.memory_space<hbm>> -> memref<1x1024xi32, #tpu.memory_space<hbm>>
    %dma_wait3A_210 = arith.constant 1 : i32
    %dma_wait3A_211 = tpu.memref_slice %arg2[%dma_wait3A_210, %mul3A_2] : memref<5x32768xi32, #tpu.memory_space<hbm>> -> memref<1x1024xi32, #tpu.memory_space<hbm>>
    %dma_wait3A_212 = arith.constant 1 : i32
    %dma_wait3A_213 = arith.constant 0 : i32
    %dma_wait3A_214 = tpu.memref_slice %arg5[%dma_wait3A_212, %dma_wait3A_213] : memref<15x1024xi32, #tpu.memory_space<vmem>> -> memref<1x1024xi32, #tpu.memory_space<vmem>>
    tpu.wait_dma2 semaphore(%arg6 : memref<!tpu.dma_semaphore, #tpu.memory_space<semaphore_mem>>) src(%dma_wait3A_214 : memref<1x1024xi32, #tpu.memory_space<vmem>>) dst(%dma_wait3A_211 : memref<1x1024xi32, #tpu.memory_space<hbm>>)
    %dma_wait3A_215 = arith.constant 2 : i32
    %dma_wait3A_216 = arith.constant 0 : i32
    %dma_wait3A_217 = tpu.memref_slice %arg5[%dma_wait3A_215, %dma_wait3A_216] : memref<15x1024xi32, #tpu.memory_space<vmem>> -> memref<1x1024xi32, #tpu.memory_space<vmem>>
    %dma_wait3A_218 = arith.constant 2 : i32
    %dma_wait3A_219 = tpu.memref_slice %arg2[%dma_wait3A_218, %mul3A_2] : memref<5x32768xi32, #tpu.memory_space<hbm>> -> memref<1x1024xi32, #tpu.memory_space<hbm>>
    %dma_wait3A_220 = arith.constant 2 : i32
    %dma_wait3A_221 = tpu.memref_slice %arg2[%dma_wait3A_220, %mul3A_2] : memref<5x32768xi32, #tpu.memory_space<hbm>> -> memref<1x1024xi32, #tpu.memory_space<hbm>>
    %dma_wait3A_222 = arith.constant 2 : i32
    %dma_wait3A_223 = arith.constant 0 : i32
    %dma_wait3A_224 = tpu.memref_slice %arg5[%dma_wait3A_222, %dma_wait3A_223] : memref<15x1024xi32, #tpu.memory_space<vmem>> -> memref<1x1024xi32, #tpu.memory_space<vmem>>
    tpu.wait_dma2 semaphore(%arg6 : memref<!tpu.dma_semaphore, #tpu.memory_space<semaphore_mem>>) src(%dma_wait3A_224 : memref<1x1024xi32, #tpu.memory_space<vmem>>) dst(%dma_wait3A_221 : memref<1x1024xi32, #tpu.memory_space<hbm>>)
    %dma_wait3A_225 = arith.constant 3 : i32
    %dma_wait3A_226 = arith.constant 0 : i32
    %dma_wait3A_227 = tpu.memref_slice %arg5[%dma_wait3A_225, %dma_wait3A_226] : memref<15x1024xi32, #tpu.memory_space<vmem>> -> memref<1x1024xi32, #tpu.memory_space<vmem>>
    %dma_wait3A_228 = arith.constant 3 : i32
    %dma_wait3A_229 = tpu.memref_slice %arg2[%dma_wait3A_228, %mul3A_2] : memref<5x32768xi32, #tpu.memory_space<hbm>> -> memref<1x1024xi32, #tpu.memory_space<hbm>>
    %dma_wait3A_230 = arith.constant 3 : i32
    %dma_wait3A_231 = tpu.memref_slice %arg2[%dma_wait3A_230, %mul3A_2] : memref<5x32768xi32, #tpu.memory_space<hbm>> -> memref<1x1024xi32, #tpu.memory_space<hbm>>
    %dma_wait3A_232 = arith.constant 3 : i32
    %dma_wait3A_233 = arith.constant 0 : i32
    %dma_wait3A_234 = tpu.memref_slice %arg5[%dma_wait3A_232, %dma_wait3A_233] : memref<15x1024xi32, #tpu.memory_space<vmem>> -> memref<1x1024xi32, #tpu.memory_space<vmem>>
    tpu.wait_dma2 semaphore(%arg6 : memref<!tpu.dma_semaphore, #tpu.memory_space<semaphore_mem>>) src(%dma_wait3A_234 : memref<1x1024xi32, #tpu.memory_space<vmem>>) dst(%dma_wait3A_231 : memref<1x1024xi32, #tpu.memory_space<hbm>>)
    %dma_wait3A_235 = arith.constant 4 : i32
    %dma_wait3A_236 = arith.constant 0 : i32
    %dma_wait3A_237 = tpu.memref_slice %arg5[%dma_wait3A_235, %dma_wait3A_236] : memref<15x1024xi32, #tpu.memory_space<vmem>> -> memref<1x1024xi32, #tpu.memory_space<vmem>>
    %dma_wait3A_238 = arith.constant 4 : i32
    %dma_wait3A_239 = tpu.memref_slice %arg2[%dma_wait3A_238, %mul3A_2] : memref<5x32768xi32, #tpu.memory_space<hbm>> -> memref<1x1024xi32, #tpu.memory_space<hbm>>
    %dma_wait3A_240 = arith.constant 4 : i32
    %dma_wait3A_241 = tpu.memref_slice %arg2[%dma_wait3A_240, %mul3A_2] : memref<5x32768xi32, #tpu.memory_space<hbm>> -> memref<1x1024xi32, #tpu.memory_space<hbm>>
    %dma_wait3A_242 = arith.constant 4 : i32
    %dma_wait3A_243 = arith.constant 0 : i32
    %dma_wait3A_244 = tpu.memref_slice %arg5[%dma_wait3A_242, %dma_wait3A_243] : memref<15x1024xi32, #tpu.memory_space<vmem>> -> memref<1x1024xi32, #tpu.memory_space<vmem>>
    tpu.wait_dma2 semaphore(%arg6 : memref<!tpu.dma_semaphore, #tpu.memory_space<semaphore_mem>>) src(%dma_wait3A_244 : memref<1x1024xi32, #tpu.memory_space<vmem>>) dst(%dma_wait3A_241 : memref<1x1024xi32, #tpu.memory_space<hbm>>)
    %dma_wait3A_245 = arith.constant 5 : i32
    %dma_wait3A_246 = arith.constant 0 : i32
    %dma_wait3A_247 = tpu.memref_slice %arg5[%dma_wait3A_245, %dma_wait3A_246] : memref<15x1024xi32, #tpu.memory_space<vmem>> -> memref<1x1024xi32, #tpu.memory_space<vmem>>
    %dma_wait3A_248 = arith.constant 0 : i32
    %dma_wait3A_249 = tpu.memref_slice %arg3[%dma_wait3A_248, %mul3A_2] : memref<5x32768xi32, #tpu.memory_space<hbm>> -> memref<1x1024xi32, #tpu.memory_space<hbm>>
    %dma_wait3A_250 = arith.constant 0 : i32
    %dma_wait3A_251 = tpu.memref_slice %arg3[%dma_wait3A_250, %mul3A_2] : memref<5x32768xi32, #tpu.memory_space<hbm>> -> memref<1x1024xi32, #tpu.memory_space<hbm>>
    %dma_wait3A_252 = arith.constant 5 : i32
    %dma_wait3A_253 = arith.constant 0 : i32
    %dma_wait3A_254 = tpu.memref_slice %arg5[%dma_wait3A_252, %dma_wait3A_253] : memref<15x1024xi32, #tpu.memory_space<vmem>> -> memref<1x1024xi32, #tpu.memory_space<vmem>>
    tpu.wait_dma2 semaphore(%arg6 : memref<!tpu.dma_semaphore, #tpu.memory_space<semaphore_mem>>) src(%dma_wait3A_254 : memref<1x1024xi32, #tpu.memory_space<vmem>>) dst(%dma_wait3A_251 : memref<1x1024xi32, #tpu.memory_space<hbm>>)
    %dma_wait3A_255 = arith.constant 6 : i32
    %dma_wait3A_256 = arith.constant 0 : i32
    %dma_wait3A_257 = tpu.memref_slice %arg5[%dma_wait3A_255, %dma_wait3A_256] : memref<15x1024xi32, #tpu.memory_space<vmem>> -> memref<1x1024xi32, #tpu.memory_space<vmem>>
    %dma_wait3A_258 = arith.constant 1 : i32
    %dma_wait3A_259 = tpu.memref_slice %arg3[%dma_wait3A_258, %mul3A_2] : memref<5x32768xi32, #tpu.memory_space<hbm>> -> memref<1x1024xi32, #tpu.memory_space<hbm>>
    %dma_wait3A_260 = arith.constant 1 : i32
    %dma_wait3A_261 = tpu.memref_slice %arg3[%dma_wait3A_260, %mul3A_2] : memref<5x32768xi32, #tpu.memory_space<hbm>> -> memref<1x1024xi32, #tpu.memory_space<hbm>>
    %dma_wait3A_262 = arith.constant 6 : i32
    %dma_wait3A_263 = arith.constant 0 : i32
    %dma_wait3A_264 = tpu.memref_slice %arg5[%dma_wait3A_262, %dma_wait3A_263] : memref<15x1024xi32, #tpu.memory_space<vmem>> -> memref<1x1024xi32, #tpu.memory_space<vmem>>
    tpu.wait_dma2 semaphore(%arg6 : memref<!tpu.dma_semaphore, #tpu.memory_space<semaphore_mem>>) src(%dma_wait3A_264 : memref<1x1024xi32, #tpu.memory_space<vmem>>) dst(%dma_wait3A_261 : memref<1x1024xi32, #tpu.memory_space<hbm>>)
    %dma_wait3A_265 = arith.constant 7 : i32
    %dma_wait3A_266 = arith.constant 0 : i32
    %dma_wait3A_267 = tpu.memref_slice %arg5[%dma_wait3A_265, %dma_wait3A_266] : memref<15x1024xi32, #tpu.memory_space<vmem>> -> memref<1x1024xi32, #tpu.memory_space<vmem>>
    %dma_wait3A_268 = arith.constant 2 : i32
    %dma_wait3A_269 = tpu.memref_slice %arg3[%dma_wait3A_268, %mul3A_2] : memref<5x32768xi32, #tpu.memory_space<hbm>> -> memref<1x1024xi32, #tpu.memory_space<hbm>>
    %dma_wait3A_270 = arith.constant 2 : i32
    %dma_wait3A_271 = tpu.memref_slice %arg3[%dma_wait3A_270, %mul3A_2] : memref<5x32768xi32, #tpu.memory_space<hbm>> -> memref<1x1024xi32, #tpu.memory_space<hbm>>
    %dma_wait3A_272 = arith.constant 7 : i32
    %dma_wait3A_273 = arith.constant 0 : i32
    %dma_wait3A_274 = tpu.memref_slice %arg5[%dma_wait3A_272, %dma_wait3A_273] : memref<15x1024xi32, #tpu.memory_space<vmem>> -> memref<1x1024xi32, #tpu.memory_space<vmem>>
    tpu.wait_dma2 semaphore(%arg6 : memref<!tpu.dma_semaphore, #tpu.memory_space<semaphore_mem>>) src(%dma_wait3A_274 : memref<1x1024xi32, #tpu.memory_space<vmem>>) dst(%dma_wait3A_271 : memref<1x1024xi32, #tpu.memory_space<hbm>>)
    %dma_wait3A_275 = arith.constant 8 : i32
    %dma_wait3A_276 = arith.constant 0 : i32
    %dma_wait3A_277 = tpu.memref_slice %arg5[%dma_wait3A_275, %dma_wait3A_276] : memref<15x1024xi32, #tpu.memory_space<vmem>> -> memref<1x1024xi32, #tpu.memory_space<vmem>>
    %dma_wait3A_278 = arith.constant 3 : i32
    %dma_wait3A_279 = tpu.memref_slice %arg3[%dma_wait3A_278, %mul3A_2] : memref<5x32768xi32, #tpu.memory_space<hbm>> -> memref<1x1024xi32, #tpu.memory_space<hbm>>
    %dma_wait3A_280 = arith.constant 3 : i32
    %dma_wait3A_281 = tpu.memref_slice %arg3[%dma_wait3A_280, %mul3A_2] : memref<5x32768xi32, #tpu.memory_space<hbm>> -> memref<1x1024xi32, #tpu.memory_space<hbm>>
    %dma_wait3A_282 = arith.constant 8 : i32
    %dma_wait3A_283 = arith.constant 0 : i32
    %dma_wait3A_284 = tpu.memref_slice %arg5[%dma_wait3A_282, %dma_wait3A_283] : memref<15x1024xi32, #tpu.memory_space<vmem>> -> memref<1x1024xi32, #tpu.memory_space<vmem>>
    tpu.wait_dma2 semaphore(%arg6 : memref<!tpu.dma_semaphore, #tpu.memory_space<semaphore_mem>>) src(%dma_wait3A_284 : memref<1x1024xi32, #tpu.memory_space<vmem>>) dst(%dma_wait3A_281 : memref<1x1024xi32, #tpu.memory_space<hbm>>)
    %dma_wait3A_285 = arith.constant 9 : i32
    %dma_wait3A_286 = arith.constant 0 : i32
    %dma_wait3A_287 = tpu.memref_slice %arg5[%dma_wait3A_285, %dma_wait3A_286] : memref<15x1024xi32, #tpu.memory_space<vmem>> -> memref<1x1024xi32, #tpu.memory_space<vmem>>
    %dma_wait3A_288 = arith.constant 4 : i32
    %dma_wait3A_289 = tpu.memref_slice %arg3[%dma_wait3A_288, %mul3A_2] : memref<5x32768xi32, #tpu.memory_space<hbm>> -> memref<1x1024xi32, #tpu.memory_space<hbm>>
    %dma_wait3A_290 = arith.constant 4 : i32
    %dma_wait3A_291 = tpu.memref_slice %arg3[%dma_wait3A_290, %mul3A_2] : memref<5x32768xi32, #tpu.memory_space<hbm>> -> memref<1x1024xi32, #tpu.memory_space<hbm>>
    %dma_wait3A_292 = arith.constant 9 : i32
    %dma_wait3A_293 = arith.constant 0 : i32
    %dma_wait3A_294 = tpu.memref_slice %arg5[%dma_wait3A_292, %dma_wait3A_293] : memref<15x1024xi32, #tpu.memory_space<vmem>> -> memref<1x1024xi32, #tpu.memory_space<vmem>>
    tpu.wait_dma2 semaphore(%arg6 : memref<!tpu.dma_semaphore, #tpu.memory_space<semaphore_mem>>) src(%dma_wait3A_294 : memref<1x1024xi32, #tpu.memory_space<vmem>>) dst(%dma_wait3A_291 : memref<1x1024xi32, #tpu.memory_space<hbm>>)
    %dma_wait3A_295 = arith.constant 10 : i32
    %dma_wait3A_296 = arith.constant 0 : i32
    %dma_wait3A_297 = tpu.memref_slice %arg5[%dma_wait3A_295, %dma_wait3A_296] : memref<15x1024xi32, #tpu.memory_space<vmem>> -> memref<1x1024xi32, #tpu.memory_space<vmem>>
    %dma_wait3A_298 = arith.constant 0 : i32
    %dma_wait3A_299 = tpu.memref_slice %arg4[%dma_wait3A_298, %mul3A_2] : memref<5x32768xi32, #tpu.memory_space<hbm>> -> memref<1x1024xi32, #tpu.memory_space<hbm>>
    %dma_wait3A_300 = arith.constant 0 : i32
    %dma_wait3A_301 = tpu.memref_slice %arg4[%dma_wait3A_300, %mul3A_2] : memref<5x32768xi32, #tpu.memory_space<hbm>> -> memref<1x1024xi32, #tpu.memory_space<hbm>>
    %dma_wait3A_302 = arith.constant 10 : i32
    %dma_wait3A_303 = arith.constant 0 : i32
    %dma_wait3A_304 = tpu.memref_slice %arg5[%dma_wait3A_302, %dma_wait3A_303] : memref<15x1024xi32, #tpu.memory_space<vmem>> -> memref<1x1024xi32, #tpu.memory_space<vmem>>
    tpu.wait_dma2 semaphore(%arg6 : memref<!tpu.dma_semaphore, #tpu.memory_space<semaphore_mem>>) src(%dma_wait3A_304 : memref<1x1024xi32, #tpu.memory_space<vmem>>) dst(%dma_wait3A_301 : memref<1x1024xi32, #tpu.memory_space<hbm>>)
    %dma_wait3A_305 = arith.constant 11 : i32
    %dma_wait3A_306 = arith.constant 0 : i32
    %dma_wait3A_307 = tpu.memref_slice %arg5[%dma_wait3A_305, %dma_wait3A_306] : memref<15x1024xi32, #tpu.memory_space<vmem>> -> memref<1x1024xi32, #tpu.memory_space<vmem>>
    %dma_wait3A_308 = arith.constant 1 : i32
    %dma_wait3A_309 = tpu.memref_slice %arg4[%dma_wait3A_308, %mul3A_2] : memref<5x32768xi32, #tpu.memory_space<hbm>> -> memref<1x1024xi32, #tpu.memory_space<hbm>>
    %dma_wait3A_310 = arith.constant 1 : i32
    %dma_wait3A_311 = tpu.memref_slice %arg4[%dma_wait3A_310, %mul3A_2] : memref<5x32768xi32, #tpu.memory_space<hbm>> -> memref<1x1024xi32, #tpu.memory_space<hbm>>
    %dma_wait3A_312 = arith.constant 11 : i32
    %dma_wait3A_313 = arith.constant 0 : i32
    %dma_wait3A_314 = tpu.memref_slice %arg5[%dma_wait3A_312, %dma_wait3A_313] : memref<15x1024xi32, #tpu.memory_space<vmem>> -> memref<1x1024xi32, #tpu.memory_space<vmem>>
    tpu.wait_dma2 semaphore(%arg6 : memref<!tpu.dma_semaphore, #tpu.memory_space<semaphore_mem>>) src(%dma_wait3A_314 : memref<1x1024xi32, #tpu.memory_space<vmem>>) dst(%dma_wait3A_311 : memref<1x1024xi32, #tpu.memory_space<hbm>>)
    %dma_wait3A_315 = arith.constant 12 : i32
    %dma_wait3A_316 = arith.constant 0 : i32
    %dma_wait3A_317 = tpu.memref_slice %arg5[%dma_wait3A_315, %dma_wait3A_316] : memref<15x1024xi32, #tpu.memory_space<vmem>> -> memref<1x1024xi32, #tpu.memory_space<vmem>>
    %dma_wait3A_318 = arith.constant 2 : i32
    %dma_wait3A_319 = tpu.memref_slice %arg4[%dma_wait3A_318, %mul3A_2] : memref<5x32768xi32, #tpu.memory_space<hbm>> -> memref<1x1024xi32, #tpu.memory_space<hbm>>
    %dma_wait3A_320 = arith.constant 2 : i32
    %dma_wait3A_321 = tpu.memref_slice %arg4[%dma_wait3A_320, %mul3A_2] : memref<5x32768xi32, #tpu.memory_space<hbm>> -> memref<1x1024xi32, #tpu.memory_space<hbm>>
    %dma_wait3A_322 = arith.constant 12 : i32
    %dma_wait3A_323 = arith.constant 0 : i32
    %dma_wait3A_324 = tpu.memref_slice %arg5[%dma_wait3A_322, %dma_wait3A_323] : memref<15x1024xi32, #tpu.memory_space<vmem>> -> memref<1x1024xi32, #tpu.memory_space<vmem>>
    tpu.wait_dma2 semaphore(%arg6 : memref<!tpu.dma_semaphore, #tpu.memory_space<semaphore_mem>>) src(%dma_wait3A_324 : memref<1x1024xi32, #tpu.memory_space<vmem>>) dst(%dma_wait3A_321 : memref<1x1024xi32, #tpu.memory_space<hbm>>)
    %dma_wait3A_325 = arith.constant 13 : i32
    %dma_wait3A_326 = arith.constant 0 : i32
    %dma_wait3A_327 = tpu.memref_slice %arg5[%dma_wait3A_325, %dma_wait3A_326] : memref<15x1024xi32, #tpu.memory_space<vmem>> -> memref<1x1024xi32, #tpu.memory_space<vmem>>
    %dma_wait3A_328 = arith.constant 3 : i32
    %dma_wait3A_329 = tpu.memref_slice %arg4[%dma_wait3A_328, %mul3A_2] : memref<5x32768xi32, #tpu.memory_space<hbm>> -> memref<1x1024xi32, #tpu.memory_space<hbm>>
    %dma_wait3A_330 = arith.constant 3 : i32
    %dma_wait3A_331 = tpu.memref_slice %arg4[%dma_wait3A_330, %mul3A_2] : memref<5x32768xi32, #tpu.memory_space<hbm>> -> memref<1x1024xi32, #tpu.memory_space<hbm>>
    %dma_wait3A_332 = arith.constant 13 : i32
    %dma_wait3A_333 = arith.constant 0 : i32
    %dma_wait3A_334 = tpu.memref_slice %arg5[%dma_wait3A_332, %dma_wait3A_333] : memref<15x1024xi32, #tpu.memory_space<vmem>> -> memref<1x1024xi32, #tpu.memory_space<vmem>>
    tpu.wait_dma2 semaphore(%arg6 : memref<!tpu.dma_semaphore, #tpu.memory_space<semaphore_mem>>) src(%dma_wait3A_334 : memref<1x1024xi32, #tpu.memory_space<vmem>>) dst(%dma_wait3A_331 : memref<1x1024xi32, #tpu.memory_space<hbm>>)
    %dma_wait3A_335 = arith.constant 14 : i32
    %dma_wait3A_336 = arith.constant 0 : i32
    %dma_wait3A_337 = tpu.memref_slice %arg5[%dma_wait3A_335, %dma_wait3A_336] : memref<15x1024xi32, #tpu.memory_space<vmem>> -> memref<1x1024xi32, #tpu.memory_space<vmem>>
    %dma_wait3A_338 = arith.constant 4 : i32
    %dma_wait3A_339 = tpu.memref_slice %arg4[%dma_wait3A_338, %mul3A_2] : memref<5x32768xi32, #tpu.memory_space<hbm>> -> memref<1x1024xi32, #tpu.memory_space<hbm>>
    %dma_wait3A_340 = arith.constant 4 : i32
    %dma_wait3A_341 = tpu.memref_slice %arg4[%dma_wait3A_340, %mul3A_2] : memref<5x32768xi32, #tpu.memory_space<hbm>> -> memref<1x1024xi32, #tpu.memory_space<hbm>>
    %dma_wait3A_342 = arith.constant 14 : i32
    %dma_wait3A_343 = arith.constant 0 : i32
    %dma_wait3A_344 = tpu.memref_slice %arg5[%dma_wait3A_342, %dma_wait3A_343] : memref<15x1024xi32, #tpu.memory_space<vmem>> -> memref<1x1024xi32, #tpu.memory_space<vmem>>
    tpu.wait_dma2 semaphore(%arg6 : memref<!tpu.dma_semaphore, #tpu.memory_space<semaphore_mem>>) src(%dma_wait3A_344 : memref<1x1024xi32, #tpu.memory_space<vmem>>) dst(%dma_wait3A_341 : memref<1x1024xi32, #tpu.memory_space<hbm>>)
    return
  }
}

module attributes {stable_mosaic.version = 14 : i64} {
  func.func @_weights_body(%arg0: i32, %arg1: i32, %arg2: memref<1x30x32xf32, #tpu.memory_space<vmem>>, %arg3: memref<1x16x32x32x32xf32, #tpu.memory_space<vmem>>) attributes {dimension_semantics = [#tpu.dimension_semantics<arbitrary>, #tpu.dimension_semantics<arbitrary>], iteration_bounds = array<i64: 8, 2>, scalar_prefetch = 0 : i64, scratch_operands = 0 : i64, tpu.core_type = #tpu.core_type<tc>, window_params = [{transform_indices = @transform_0, window_bounds = array<i64: 1, 30, 32>}, {transform_indices = @transform_1, window_bounds = array<i64: 1, 16, 32, 32, 32>}]} {
    %get3A = arith.constant 0 : index
    %get3A_0 = arith.constant 0 : index
    %get3A_1 = arith.constant 0 : index
    %get3A_2 = vector.load %arg2[%get3A, %get3A_0, %get3A_1] : memref<1x30x32xf32, #tpu.memory_space<vmem>>, vector<1x30x32xf32>
    %get3A_3 = vector.shape_cast %get3A_2 : vector<1x30x32xf32> to vector<30x32xf32>
    %iota3A = tpu.iota {dimensions = array<i32: 1>} : vector<32x32xi32>
    %broadcast_in_dim3A = arith.constant 0.000000e+00 : f32
    %broadcast_in_dim3A_4 = vector.broadcast %broadcast_in_dim3A : f32 to vector<32x32xf32>
    %slice3A = vector.extract_strided_slice %get3A_3 {offsets = [0, 0], sizes = [1, 32], strides = [1, 1]} : vector<30x32xf32> to vector<1x32xf32>
    %squeeze3A = vector.shape_cast %slice3A : vector<1x32xf32> to vector<32xf32>
    %slice3A_5 = vector.extract_strided_slice %get3A_3 {offsets = [1, 0], sizes = [1, 32], strides = [1, 1]} : vector<30x32xf32> to vector<1x32xf32>
    %squeeze3A_6 = vector.shape_cast %slice3A_5 : vector<1x32xf32> to vector<32xf32>
    %sub3A = arith.subf %squeeze3A_6, %squeeze3A : vector<32xf32>
    %shift_right_arithmetic3A = arith.constant 4 : i32
    %shift_right_arithmetic3A_7 = vector.broadcast %shift_right_arithmetic3A : i32 to vector<32x32xi32>
    %shift_right_arithmetic3A_8 = arith.shrsi %iota3A, %shift_right_arithmetic3A_7 : vector<32x32xi32>
    %and3A = arith.constant 1 : i32
    %and3A_9 = vector.broadcast %and3A : i32 to vector<32x32xi32>
    %and3A_10 = arith.andi %shift_right_arithmetic3A_8, %and3A_9 : vector<32x32xi32>
    %convert_element_type3A = arith.sitofp %and3A_10 : vector<32x32xi32> to vector<32x32xf32>
    %broadcast_in_dim3A_11 = vector.shape_cast %squeeze3A : vector<32xf32> to vector<32x1xf32>
    %add3A = vector.broadcast %broadcast_in_dim3A_11 : vector<32x1xf32> to vector<32x32xf32>
    %add3A_12 = arith.addf %broadcast_in_dim3A_4, %add3A : vector<32x32xf32>
    %broadcast_in_dim3A_13 = vector.shape_cast %sub3A : vector<32xf32> to vector<32x1xf32>
    %mul3A = vector.broadcast %broadcast_in_dim3A_13 : vector<32x1xf32> to vector<32x32xf32>
    %mul3A_14 = arith.mulf %convert_element_type3A, %mul3A : vector<32x32xf32>
    %add3A_15 = arith.addf %add3A_12, %mul3A_14 : vector<32x32xf32>
    %slice3A_16 = vector.extract_strided_slice %get3A_3 {offsets = [2, 0], sizes = [1, 32], strides = [1, 1]} : vector<30x32xf32> to vector<1x32xf32>
    %squeeze3A_17 = vector.shape_cast %slice3A_16 : vector<1x32xf32> to vector<32xf32>
    %slice3A_18 = vector.extract_strided_slice %get3A_3 {offsets = [3, 0], sizes = [1, 32], strides = [1, 1]} : vector<30x32xf32> to vector<1x32xf32>
    %squeeze3A_19 = vector.shape_cast %slice3A_18 : vector<1x32xf32> to vector<32xf32>
    %sub3A_20 = arith.subf %squeeze3A_19, %squeeze3A_17 : vector<32xf32>
    %shift_right_arithmetic3A_21 = arith.constant 3 : i32
    %shift_right_arithmetic3A_22 = vector.broadcast %shift_right_arithmetic3A_21 : i32 to vector<32x32xi32>
    %shift_right_arithmetic3A_23 = arith.shrsi %iota3A, %shift_right_arithmetic3A_22 : vector<32x32xi32>
    %and3A_24 = arith.constant 1 : i32
    %and3A_25 = vector.broadcast %and3A_24 : i32 to vector<32x32xi32>
    %and3A_26 = arith.andi %shift_right_arithmetic3A_23, %and3A_25 : vector<32x32xi32>
    %convert_element_type3A_27 = arith.sitofp %and3A_26 : vector<32x32xi32> to vector<32x32xf32>
    %broadcast_in_dim3A_28 = vector.shape_cast %squeeze3A_17 : vector<32xf32> to vector<32x1xf32>
    %add3A_29 = vector.broadcast %broadcast_in_dim3A_28 : vector<32x1xf32> to vector<32x32xf32>
    %add3A_30 = arith.addf %add3A_15, %add3A_29 : vector<32x32xf32>
    %broadcast_in_dim3A_31 = vector.shape_cast %sub3A_20 : vector<32xf32> to vector<32x1xf32>
    %mul3A_32 = vector.broadcast %broadcast_in_dim3A_31 : vector<32x1xf32> to vector<32x32xf32>
    %mul3A_33 = arith.mulf %convert_element_type3A_27, %mul3A_32 : vector<32x32xf32>
    %add3A_34 = arith.addf %add3A_30, %mul3A_33 : vector<32x32xf32>
    %slice3A_35 = vector.extract_strided_slice %get3A_3 {offsets = [4, 0], sizes = [1, 32], strides = [1, 1]} : vector<30x32xf32> to vector<1x32xf32>
    %squeeze3A_36 = vector.shape_cast %slice3A_35 : vector<1x32xf32> to vector<32xf32>
    %slice3A_37 = vector.extract_strided_slice %get3A_3 {offsets = [5, 0], sizes = [1, 32], strides = [1, 1]} : vector<30x32xf32> to vector<1x32xf32>
    %squeeze3A_38 = vector.shape_cast %slice3A_37 : vector<1x32xf32> to vector<32xf32>
    %sub3A_39 = arith.subf %squeeze3A_38, %squeeze3A_36 : vector<32xf32>
    %shift_right_arithmetic3A_40 = arith.constant 2 : i32
    %shift_right_arithmetic3A_41 = vector.broadcast %shift_right_arithmetic3A_40 : i32 to vector<32x32xi32>
    %shift_right_arithmetic3A_42 = arith.shrsi %iota3A, %shift_right_arithmetic3A_41 : vector<32x32xi32>
    %and3A_43 = arith.constant 1 : i32
    %and3A_44 = vector.broadcast %and3A_43 : i32 to vector<32x32xi32>
    %and3A_45 = arith.andi %shift_right_arithmetic3A_42, %and3A_44 : vector<32x32xi32>
    %convert_element_type3A_46 = arith.sitofp %and3A_45 : vector<32x32xi32> to vector<32x32xf32>
    %broadcast_in_dim3A_47 = vector.shape_cast %squeeze3A_36 : vector<32xf32> to vector<32x1xf32>
    %add3A_48 = vector.broadcast %broadcast_in_dim3A_47 : vector<32x1xf32> to vector<32x32xf32>
    %add3A_49 = arith.addf %add3A_34, %add3A_48 : vector<32x32xf32>
    %broadcast_in_dim3A_50 = vector.shape_cast %sub3A_39 : vector<32xf32> to vector<32x1xf32>
    %mul3A_51 = vector.broadcast %broadcast_in_dim3A_50 : vector<32x1xf32> to vector<32x32xf32>
    %mul3A_52 = arith.mulf %convert_element_type3A_46, %mul3A_51 : vector<32x32xf32>
    %add3A_53 = arith.addf %add3A_49, %mul3A_52 : vector<32x32xf32>
    %slice3A_54 = vector.extract_strided_slice %get3A_3 {offsets = [6, 0], sizes = [1, 32], strides = [1, 1]} : vector<30x32xf32> to vector<1x32xf32>
    %squeeze3A_55 = vector.shape_cast %slice3A_54 : vector<1x32xf32> to vector<32xf32>
    %slice3A_56 = vector.extract_strided_slice %get3A_3 {offsets = [7, 0], sizes = [1, 32], strides = [1, 1]} : vector<30x32xf32> to vector<1x32xf32>
    %squeeze3A_57 = vector.shape_cast %slice3A_56 : vector<1x32xf32> to vector<32xf32>
    %sub3A_58 = arith.subf %squeeze3A_57, %squeeze3A_55 : vector<32xf32>
    %shift_right_arithmetic3A_59 = arith.constant 1 : i32
    %shift_right_arithmetic3A_60 = vector.broadcast %shift_right_arithmetic3A_59 : i32 to vector<32x32xi32>
    %shift_right_arithmetic3A_61 = arith.shrsi %iota3A, %shift_right_arithmetic3A_60 : vector<32x32xi32>
    %and3A_62 = arith.constant 1 : i32
    %and3A_63 = vector.broadcast %and3A_62 : i32 to vector<32x32xi32>
    %and3A_64 = arith.andi %shift_right_arithmetic3A_61, %and3A_63 : vector<32x32xi32>
    %convert_element_type3A_65 = arith.sitofp %and3A_64 : vector<32x32xi32> to vector<32x32xf32>
    %broadcast_in_dim3A_66 = vector.shape_cast %squeeze3A_55 : vector<32xf32> to vector<32x1xf32>
    %add3A_67 = vector.broadcast %broadcast_in_dim3A_66 : vector<32x1xf32> to vector<32x32xf32>
    %add3A_68 = arith.addf %add3A_53, %add3A_67 : vector<32x32xf32>
    %broadcast_in_dim3A_69 = vector.shape_cast %sub3A_58 : vector<32xf32> to vector<32x1xf32>
    %mul3A_70 = vector.broadcast %broadcast_in_dim3A_69 : vector<32x1xf32> to vector<32x32xf32>
    %mul3A_71 = arith.mulf %convert_element_type3A_65, %mul3A_70 : vector<32x32xf32>
    %add3A_72 = arith.addf %add3A_68, %mul3A_71 : vector<32x32xf32>
    %slice3A_73 = vector.extract_strided_slice %get3A_3 {offsets = [8, 0], sizes = [1, 32], strides = [1, 1]} : vector<30x32xf32> to vector<1x32xf32>
    %squeeze3A_74 = vector.shape_cast %slice3A_73 : vector<1x32xf32> to vector<32xf32>
    %slice3A_75 = vector.extract_strided_slice %get3A_3 {offsets = [9, 0], sizes = [1, 32], strides = [1, 1]} : vector<30x32xf32> to vector<1x32xf32>
    %squeeze3A_76 = vector.shape_cast %slice3A_75 : vector<1x32xf32> to vector<32xf32>
    %sub3A_77 = arith.subf %squeeze3A_76, %squeeze3A_74 : vector<32xf32>
    %shift_right_arithmetic3A_78 = arith.constant 0 : i32
    %shift_right_arithmetic3A_79 = vector.broadcast %shift_right_arithmetic3A_78 : i32 to vector<32x32xi32>
    %shift_right_arithmetic3A_80 = arith.shrsi %iota3A, %shift_right_arithmetic3A_79 : vector<32x32xi32>
    %and3A_81 = arith.constant 1 : i32
    %and3A_82 = vector.broadcast %and3A_81 : i32 to vector<32x32xi32>
    %and3A_83 = arith.andi %shift_right_arithmetic3A_80, %and3A_82 : vector<32x32xi32>
    %convert_element_type3A_84 = arith.sitofp %and3A_83 : vector<32x32xi32> to vector<32x32xf32>
    %broadcast_in_dim3A_85 = vector.shape_cast %squeeze3A_74 : vector<32xf32> to vector<32x1xf32>
    %add3A_86 = vector.broadcast %broadcast_in_dim3A_85 : vector<32x1xf32> to vector<32x32xf32>
    %add3A_87 = arith.addf %add3A_72, %add3A_86 : vector<32x32xf32>
    %broadcast_in_dim3A_88 = vector.shape_cast %sub3A_77 : vector<32xf32> to vector<32x1xf32>
    %mul3A_89 = vector.broadcast %broadcast_in_dim3A_88 : vector<32x1xf32> to vector<32x32xf32>
    %mul3A_90 = arith.mulf %convert_element_type3A_84, %mul3A_89 : vector<32x32xf32>
    %add3A_91 = arith.addf %add3A_87, %mul3A_90 : vector<32x32xf32>
    %eq3A = arith.constant 0 : i32
    %eq3A_92 = arith.cmpi eq, %arg1, %eq3A : i32
    %slice3A_93 = vector.extract_strided_slice %add3A_91 {offsets = [0, 0], sizes = [16, 32], strides = [1, 1]} : vector<32x32xf32> to vector<16x32xf32>
    %slice3A_94 = vector.extract_strided_slice %add3A_91 {offsets = [16, 0], sizes = [16, 32], strides = [1, 1]} : vector<32x32xf32> to vector<16x32xf32>
    %select_n3A = arith.select %eq3A_92, %slice3A_93, %slice3A_94 : vector<16x32xf32>
    %iota3A_95 = tpu.iota {dimensions = array<i32: 1>} : vector<32x32xi32>
    %broadcast_in_dim3A_96 = arith.constant 0.000000e+00 : f32
    %broadcast_in_dim3A_97 = vector.broadcast %broadcast_in_dim3A_96 : f32 to vector<32x32xf32>
    %slice3A_98 = vector.extract_strided_slice %get3A_3 {offsets = [10, 0], sizes = [1, 32], strides = [1, 1]} : vector<30x32xf32> to vector<1x32xf32>
    %squeeze3A_99 = vector.shape_cast %slice3A_98 : vector<1x32xf32> to vector<32xf32>
    %slice3A_100 = vector.extract_strided_slice %get3A_3 {offsets = [11, 0], sizes = [1, 32], strides = [1, 1]} : vector<30x32xf32> to vector<1x32xf32>
    %squeeze3A_101 = vector.shape_cast %slice3A_100 : vector<1x32xf32> to vector<32xf32>
    %sub3A_102 = arith.subf %squeeze3A_101, %squeeze3A_99 : vector<32xf32>
    %shift_right_arithmetic3A_103 = arith.constant 4 : i32
    %shift_right_arithmetic3A_104 = vector.broadcast %shift_right_arithmetic3A_103 : i32 to vector<32x32xi32>
    %shift_right_arithmetic3A_105 = arith.shrsi %iota3A_95, %shift_right_arithmetic3A_104 : vector<32x32xi32>
    %and3A_106 = arith.constant 1 : i32
    %and3A_107 = vector.broadcast %and3A_106 : i32 to vector<32x32xi32>
    %and3A_108 = arith.andi %shift_right_arithmetic3A_105, %and3A_107 : vector<32x32xi32>
    %convert_element_type3A_109 = arith.sitofp %and3A_108 : vector<32x32xi32> to vector<32x32xf32>
    %broadcast_in_dim3A_110 = vector.shape_cast %squeeze3A_99 : vector<32xf32> to vector<32x1xf32>
    %add3A_111 = vector.broadcast %broadcast_in_dim3A_110 : vector<32x1xf32> to vector<32x32xf32>
    %add3A_112 = arith.addf %broadcast_in_dim3A_97, %add3A_111 : vector<32x32xf32>
    %broadcast_in_dim3A_113 = vector.shape_cast %sub3A_102 : vector<32xf32> to vector<32x1xf32>
    %mul3A_114 = vector.broadcast %broadcast_in_dim3A_113 : vector<32x1xf32> to vector<32x32xf32>
    %mul3A_115 = arith.mulf %convert_element_type3A_109, %mul3A_114 : vector<32x32xf32>
    %add3A_116 = arith.addf %add3A_112, %mul3A_115 : vector<32x32xf32>
    %slice3A_117 = vector.extract_strided_slice %get3A_3 {offsets = [12, 0], sizes = [1, 32], strides = [1, 1]} : vector<30x32xf32> to vector<1x32xf32>
    %squeeze3A_118 = vector.shape_cast %slice3A_117 : vector<1x32xf32> to vector<32xf32>
    %slice3A_119 = vector.extract_strided_slice %get3A_3 {offsets = [13, 0], sizes = [1, 32], strides = [1, 1]} : vector<30x32xf32> to vector<1x32xf32>
    %squeeze3A_120 = vector.shape_cast %slice3A_119 : vector<1x32xf32> to vector<32xf32>
    %sub3A_121 = arith.subf %squeeze3A_120, %squeeze3A_118 : vector<32xf32>
    %shift_right_arithmetic3A_122 = arith.constant 3 : i32
    %shift_right_arithmetic3A_123 = vector.broadcast %shift_right_arithmetic3A_122 : i32 to vector<32x32xi32>
    %shift_right_arithmetic3A_124 = arith.shrsi %iota3A_95, %shift_right_arithmetic3A_123 : vector<32x32xi32>
    %and3A_125 = arith.constant 1 : i32
    %and3A_126 = vector.broadcast %and3A_125 : i32 to vector<32x32xi32>
    %and3A_127 = arith.andi %shift_right_arithmetic3A_124, %and3A_126 : vector<32x32xi32>
    %convert_element_type3A_128 = arith.sitofp %and3A_127 : vector<32x32xi32> to vector<32x32xf32>
    %broadcast_in_dim3A_129 = vector.shape_cast %squeeze3A_118 : vector<32xf32> to vector<32x1xf32>
    %add3A_130 = vector.broadcast %broadcast_in_dim3A_129 : vector<32x1xf32> to vector<32x32xf32>
    %add3A_131 = arith.addf %add3A_116, %add3A_130 : vector<32x32xf32>
    %broadcast_in_dim3A_132 = vector.shape_cast %sub3A_121 : vector<32xf32> to vector<32x1xf32>
    %mul3A_133 = vector.broadcast %broadcast_in_dim3A_132 : vector<32x1xf32> to vector<32x32xf32>
    %mul3A_134 = arith.mulf %convert_element_type3A_128, %mul3A_133 : vector<32x32xf32>
    %add3A_135 = arith.addf %add3A_131, %mul3A_134 : vector<32x32xf32>
    %slice3A_136 = vector.extract_strided_slice %get3A_3 {offsets = [14, 0], sizes = [1, 32], strides = [1, 1]} : vector<30x32xf32> to vector<1x32xf32>
    %squeeze3A_137 = vector.shape_cast %slice3A_136 : vector<1x32xf32> to vector<32xf32>
    %slice3A_138 = vector.extract_strided_slice %get3A_3 {offsets = [15, 0], sizes = [1, 32], strides = [1, 1]} : vector<30x32xf32> to vector<1x32xf32>
    %squeeze3A_139 = vector.shape_cast %slice3A_138 : vector<1x32xf32> to vector<32xf32>
    %sub3A_140 = arith.subf %squeeze3A_139, %squeeze3A_137 : vector<32xf32>
    %shift_right_arithmetic3A_141 = arith.constant 2 : i32
    %shift_right_arithmetic3A_142 = vector.broadcast %shift_right_arithmetic3A_141 : i32 to vector<32x32xi32>
    %shift_right_arithmetic3A_143 = arith.shrsi %iota3A_95, %shift_right_arithmetic3A_142 : vector<32x32xi32>
    %and3A_144 = arith.constant 1 : i32
    %and3A_145 = vector.broadcast %and3A_144 : i32 to vector<32x32xi32>
    %and3A_146 = arith.andi %shift_right_arithmetic3A_143, %and3A_145 : vector<32x32xi32>
    %convert_element_type3A_147 = arith.sitofp %and3A_146 : vector<32x32xi32> to vector<32x32xf32>
    %broadcast_in_dim3A_148 = vector.shape_cast %squeeze3A_137 : vector<32xf32> to vector<32x1xf32>
    %add3A_149 = vector.broadcast %broadcast_in_dim3A_148 : vector<32x1xf32> to vector<32x32xf32>
    %add3A_150 = arith.addf %add3A_135, %add3A_149 : vector<32x32xf32>
    %broadcast_in_dim3A_151 = vector.shape_cast %sub3A_140 : vector<32xf32> to vector<32x1xf32>
    %mul3A_152 = vector.broadcast %broadcast_in_dim3A_151 : vector<32x1xf32> to vector<32x32xf32>
    %mul3A_153 = arith.mulf %convert_element_type3A_147, %mul3A_152 : vector<32x32xf32>
    %add3A_154 = arith.addf %add3A_150, %mul3A_153 : vector<32x32xf32>
    %slice3A_155 = vector.extract_strided_slice %get3A_3 {offsets = [16, 0], sizes = [1, 32], strides = [1, 1]} : vector<30x32xf32> to vector<1x32xf32>
    %squeeze3A_156 = vector.shape_cast %slice3A_155 : vector<1x32xf32> to vector<32xf32>
    %slice3A_157 = vector.extract_strided_slice %get3A_3 {offsets = [17, 0], sizes = [1, 32], strides = [1, 1]} : vector<30x32xf32> to vector<1x32xf32>
    %squeeze3A_158 = vector.shape_cast %slice3A_157 : vector<1x32xf32> to vector<32xf32>
    %sub3A_159 = arith.subf %squeeze3A_158, %squeeze3A_156 : vector<32xf32>
    %shift_right_arithmetic3A_160 = arith.constant 1 : i32
    %shift_right_arithmetic3A_161 = vector.broadcast %shift_right_arithmetic3A_160 : i32 to vector<32x32xi32>
    %shift_right_arithmetic3A_162 = arith.shrsi %iota3A_95, %shift_right_arithmetic3A_161 : vector<32x32xi32>
    %and3A_163 = arith.constant 1 : i32
    %and3A_164 = vector.broadcast %and3A_163 : i32 to vector<32x32xi32>
    %and3A_165 = arith.andi %shift_right_arithmetic3A_162, %and3A_164 : vector<32x32xi32>
    %convert_element_type3A_166 = arith.sitofp %and3A_165 : vector<32x32xi32> to vector<32x32xf32>
    %broadcast_in_dim3A_167 = vector.shape_cast %squeeze3A_156 : vector<32xf32> to vector<32x1xf32>
    %add3A_168 = vector.broadcast %broadcast_in_dim3A_167 : vector<32x1xf32> to vector<32x32xf32>
    %add3A_169 = arith.addf %add3A_154, %add3A_168 : vector<32x32xf32>
    %broadcast_in_dim3A_170 = vector.shape_cast %sub3A_159 : vector<32xf32> to vector<32x1xf32>
    %mul3A_171 = vector.broadcast %broadcast_in_dim3A_170 : vector<32x1xf32> to vector<32x32xf32>
    %mul3A_172 = arith.mulf %convert_element_type3A_166, %mul3A_171 : vector<32x32xf32>
    %add3A_173 = arith.addf %add3A_169, %mul3A_172 : vector<32x32xf32>
    %slice3A_174 = vector.extract_strided_slice %get3A_3 {offsets = [18, 0], sizes = [1, 32], strides = [1, 1]} : vector<30x32xf32> to vector<1x32xf32>
    %squeeze3A_175 = vector.shape_cast %slice3A_174 : vector<1x32xf32> to vector<32xf32>
    %slice3A_176 = vector.extract_strided_slice %get3A_3 {offsets = [19, 0], sizes = [1, 32], strides = [1, 1]} : vector<30x32xf32> to vector<1x32xf32>
    %squeeze3A_177 = vector.shape_cast %slice3A_176 : vector<1x32xf32> to vector<32xf32>
    %sub3A_178 = arith.subf %squeeze3A_177, %squeeze3A_175 : vector<32xf32>
    %shift_right_arithmetic3A_179 = arith.constant 0 : i32
    %shift_right_arithmetic3A_180 = vector.broadcast %shift_right_arithmetic3A_179 : i32 to vector<32x32xi32>
    %shift_right_arithmetic3A_181 = arith.shrsi %iota3A_95, %shift_right_arithmetic3A_180 : vector<32x32xi32>
    %and3A_182 = arith.constant 1 : i32
    %and3A_183 = vector.broadcast %and3A_182 : i32 to vector<32x32xi32>
    %and3A_184 = arith.andi %shift_right_arithmetic3A_181, %and3A_183 : vector<32x32xi32>
    %convert_element_type3A_185 = arith.sitofp %and3A_184 : vector<32x32xi32> to vector<32x32xf32>
    %broadcast_in_dim3A_186 = vector.shape_cast %squeeze3A_175 : vector<32xf32> to vector<32x1xf32>
    %add3A_187 = vector.broadcast %broadcast_in_dim3A_186 : vector<32x1xf32> to vector<32x32xf32>
    %add3A_188 = arith.addf %add3A_173, %add3A_187 : vector<32x32xf32>
    %broadcast_in_dim3A_189 = vector.shape_cast %sub3A_178 : vector<32xf32> to vector<32x1xf32>
    %mul3A_190 = vector.broadcast %broadcast_in_dim3A_189 : vector<32x1xf32> to vector<32x32xf32>
    %mul3A_191 = arith.mulf %convert_element_type3A_185, %mul3A_190 : vector<32x32xf32>
    %add3A_192 = arith.addf %add3A_188, %mul3A_191 : vector<32x32xf32>
    %eq3A_193 = arith.constant 0 : i32
    %eq3A_194 = arith.cmpi eq, %arg1, %eq3A_193 : i32
    %slice3A_195 = vector.extract_strided_slice %add3A_192 {offsets = [0, 0], sizes = [16, 32], strides = [1, 1]} : vector<32x32xf32> to vector<16x32xf32>
    %slice3A_196 = vector.extract_strided_slice %add3A_192 {offsets = [16, 0], sizes = [16, 32], strides = [1, 1]} : vector<32x32xf32> to vector<16x32xf32>
    %select_n3A_197 = arith.select %eq3A_194, %slice3A_195, %slice3A_196 : vector<16x32xf32>
    %iota3A_198 = tpu.iota {dimensions = array<i32: 1>} : vector<32x32xi32>
    %broadcast_in_dim3A_199 = arith.constant 0.000000e+00 : f32
    %broadcast_in_dim3A_200 = vector.broadcast %broadcast_in_dim3A_199 : f32 to vector<32x32xf32>
    %slice3A_201 = vector.extract_strided_slice %get3A_3 {offsets = [20, 0], sizes = [1, 32], strides = [1, 1]} : vector<30x32xf32> to vector<1x32xf32>
    %squeeze3A_202 = vector.shape_cast %slice3A_201 : vector<1x32xf32> to vector<32xf32>
    %slice3A_203 = vector.extract_strided_slice %get3A_3 {offsets = [21, 0], sizes = [1, 32], strides = [1, 1]} : vector<30x32xf32> to vector<1x32xf32>
    %squeeze3A_204 = vector.shape_cast %slice3A_203 : vector<1x32xf32> to vector<32xf32>
    %sub3A_205 = arith.subf %squeeze3A_204, %squeeze3A_202 : vector<32xf32>
    %shift_right_arithmetic3A_206 = arith.constant 4 : i32
    %shift_right_arithmetic3A_207 = vector.broadcast %shift_right_arithmetic3A_206 : i32 to vector<32x32xi32>
    %shift_right_arithmetic3A_208 = arith.shrsi %iota3A_198, %shift_right_arithmetic3A_207 : vector<32x32xi32>
    %and3A_209 = arith.constant 1 : i32
    %and3A_210 = vector.broadcast %and3A_209 : i32 to vector<32x32xi32>
    %and3A_211 = arith.andi %shift_right_arithmetic3A_208, %and3A_210 : vector<32x32xi32>
    %convert_element_type3A_212 = arith.sitofp %and3A_211 : vector<32x32xi32> to vector<32x32xf32>
    %broadcast_in_dim3A_213 = vector.shape_cast %squeeze3A_202 : vector<32xf32> to vector<32x1xf32>
    %add3A_214 = vector.broadcast %broadcast_in_dim3A_213 : vector<32x1xf32> to vector<32x32xf32>
    %add3A_215 = arith.addf %broadcast_in_dim3A_200, %add3A_214 : vector<32x32xf32>
    %broadcast_in_dim3A_216 = vector.shape_cast %sub3A_205 : vector<32xf32> to vector<32x1xf32>
    %mul3A_217 = vector.broadcast %broadcast_in_dim3A_216 : vector<32x1xf32> to vector<32x32xf32>
    %mul3A_218 = arith.mulf %convert_element_type3A_212, %mul3A_217 : vector<32x32xf32>
    %add3A_219 = arith.addf %add3A_215, %mul3A_218 : vector<32x32xf32>
    %slice3A_220 = vector.extract_strided_slice %get3A_3 {offsets = [22, 0], sizes = [1, 32], strides = [1, 1]} : vector<30x32xf32> to vector<1x32xf32>
    %squeeze3A_221 = vector.shape_cast %slice3A_220 : vector<1x32xf32> to vector<32xf32>
    %slice3A_222 = vector.extract_strided_slice %get3A_3 {offsets = [23, 0], sizes = [1, 32], strides = [1, 1]} : vector<30x32xf32> to vector<1x32xf32>
    %squeeze3A_223 = vector.shape_cast %slice3A_222 : vector<1x32xf32> to vector<32xf32>
    %sub3A_224 = arith.subf %squeeze3A_223, %squeeze3A_221 : vector<32xf32>
    %shift_right_arithmetic3A_225 = arith.constant 3 : i32
    %shift_right_arithmetic3A_226 = vector.broadcast %shift_right_arithmetic3A_225 : i32 to vector<32x32xi32>
    %shift_right_arithmetic3A_227 = arith.shrsi %iota3A_198, %shift_right_arithmetic3A_226 : vector<32x32xi32>
    %and3A_228 = arith.constant 1 : i32
    %and3A_229 = vector.broadcast %and3A_228 : i32 to vector<32x32xi32>
    %and3A_230 = arith.andi %shift_right_arithmetic3A_227, %and3A_229 : vector<32x32xi32>
    %convert_element_type3A_231 = arith.sitofp %and3A_230 : vector<32x32xi32> to vector<32x32xf32>
    %broadcast_in_dim3A_232 = vector.shape_cast %squeeze3A_221 : vector<32xf32> to vector<32x1xf32>
    %add3A_233 = vector.broadcast %broadcast_in_dim3A_232 : vector<32x1xf32> to vector<32x32xf32>
    %add3A_234 = arith.addf %add3A_219, %add3A_233 : vector<32x32xf32>
    %broadcast_in_dim3A_235 = vector.shape_cast %sub3A_224 : vector<32xf32> to vector<32x1xf32>
    %mul3A_236 = vector.broadcast %broadcast_in_dim3A_235 : vector<32x1xf32> to vector<32x32xf32>
    %mul3A_237 = arith.mulf %convert_element_type3A_231, %mul3A_236 : vector<32x32xf32>
    %add3A_238 = arith.addf %add3A_234, %mul3A_237 : vector<32x32xf32>
    %slice3A_239 = vector.extract_strided_slice %get3A_3 {offsets = [24, 0], sizes = [1, 32], strides = [1, 1]} : vector<30x32xf32> to vector<1x32xf32>
    %squeeze3A_240 = vector.shape_cast %slice3A_239 : vector<1x32xf32> to vector<32xf32>
    %slice3A_241 = vector.extract_strided_slice %get3A_3 {offsets = [25, 0], sizes = [1, 32], strides = [1, 1]} : vector<30x32xf32> to vector<1x32xf32>
    %squeeze3A_242 = vector.shape_cast %slice3A_241 : vector<1x32xf32> to vector<32xf32>
    %sub3A_243 = arith.subf %squeeze3A_242, %squeeze3A_240 : vector<32xf32>
    %shift_right_arithmetic3A_244 = arith.constant 2 : i32
    %shift_right_arithmetic3A_245 = vector.broadcast %shift_right_arithmetic3A_244 : i32 to vector<32x32xi32>
    %shift_right_arithmetic3A_246 = arith.shrsi %iota3A_198, %shift_right_arithmetic3A_245 : vector<32x32xi32>
    %and3A_247 = arith.constant 1 : i32
    %and3A_248 = vector.broadcast %and3A_247 : i32 to vector<32x32xi32>
    %and3A_249 = arith.andi %shift_right_arithmetic3A_246, %and3A_248 : vector<32x32xi32>
    %convert_element_type3A_250 = arith.sitofp %and3A_249 : vector<32x32xi32> to vector<32x32xf32>
    %broadcast_in_dim3A_251 = vector.shape_cast %squeeze3A_240 : vector<32xf32> to vector<32x1xf32>
    %add3A_252 = vector.broadcast %broadcast_in_dim3A_251 : vector<32x1xf32> to vector<32x32xf32>
    %add3A_253 = arith.addf %add3A_238, %add3A_252 : vector<32x32xf32>
    %broadcast_in_dim3A_254 = vector.shape_cast %sub3A_243 : vector<32xf32> to vector<32x1xf32>
    %mul3A_255 = vector.broadcast %broadcast_in_dim3A_254 : vector<32x1xf32> to vector<32x32xf32>
    %mul3A_256 = arith.mulf %convert_element_type3A_250, %mul3A_255 : vector<32x32xf32>
    %add3A_257 = arith.addf %add3A_253, %mul3A_256 : vector<32x32xf32>
    %slice3A_258 = vector.extract_strided_slice %get3A_3 {offsets = [26, 0], sizes = [1, 32], strides = [1, 1]} : vector<30x32xf32> to vector<1x32xf32>
    %squeeze3A_259 = vector.shape_cast %slice3A_258 : vector<1x32xf32> to vector<32xf32>
    %slice3A_260 = vector.extract_strided_slice %get3A_3 {offsets = [27, 0], sizes = [1, 32], strides = [1, 1]} : vector<30x32xf32> to vector<1x32xf32>
    %squeeze3A_261 = vector.shape_cast %slice3A_260 : vector<1x32xf32> to vector<32xf32>
    %sub3A_262 = arith.subf %squeeze3A_261, %squeeze3A_259 : vector<32xf32>
    %shift_right_arithmetic3A_263 = arith.constant 1 : i32
    %shift_right_arithmetic3A_264 = vector.broadcast %shift_right_arithmetic3A_263 : i32 to vector<32x32xi32>
    %shift_right_arithmetic3A_265 = arith.shrsi %iota3A_198, %shift_right_arithmetic3A_264 : vector<32x32xi32>
    %and3A_266 = arith.constant 1 : i32
    %and3A_267 = vector.broadcast %and3A_266 : i32 to vector<32x32xi32>
    %and3A_268 = arith.andi %shift_right_arithmetic3A_265, %and3A_267 : vector<32x32xi32>
    %convert_element_type3A_269 = arith.sitofp %and3A_268 : vector<32x32xi32> to vector<32x32xf32>
    %broadcast_in_dim3A_270 = vector.shape_cast %squeeze3A_259 : vector<32xf32> to vector<32x1xf32>
    %add3A_271 = vector.broadcast %broadcast_in_dim3A_270 : vector<32x1xf32> to vector<32x32xf32>
    %add3A_272 = arith.addf %add3A_257, %add3A_271 : vector<32x32xf32>
    %broadcast_in_dim3A_273 = vector.shape_cast %sub3A_262 : vector<32xf32> to vector<32x1xf32>
    %mul3A_274 = vector.broadcast %broadcast_in_dim3A_273 : vector<32x1xf32> to vector<32x32xf32>
    %mul3A_275 = arith.mulf %convert_element_type3A_269, %mul3A_274 : vector<32x32xf32>
    %add3A_276 = arith.addf %add3A_272, %mul3A_275 : vector<32x32xf32>
    %slice3A_277 = vector.extract_strided_slice %get3A_3 {offsets = [28, 0], sizes = [1, 32], strides = [1, 1]} : vector<30x32xf32> to vector<1x32xf32>
    %squeeze3A_278 = vector.shape_cast %slice3A_277 : vector<1x32xf32> to vector<32xf32>
    %slice3A_279 = vector.extract_strided_slice %get3A_3 {offsets = [29, 0], sizes = [1, 32], strides = [1, 1]} : vector<30x32xf32> to vector<1x32xf32>
    %squeeze3A_280 = vector.shape_cast %slice3A_279 : vector<1x32xf32> to vector<32xf32>
    %sub3A_281 = arith.subf %squeeze3A_280, %squeeze3A_278 : vector<32xf32>
    %shift_right_arithmetic3A_282 = arith.constant 0 : i32
    %shift_right_arithmetic3A_283 = vector.broadcast %shift_right_arithmetic3A_282 : i32 to vector<32x32xi32>
    %shift_right_arithmetic3A_284 = arith.shrsi %iota3A_198, %shift_right_arithmetic3A_283 : vector<32x32xi32>
    %and3A_285 = arith.constant 1 : i32
    %and3A_286 = vector.broadcast %and3A_285 : i32 to vector<32x32xi32>
    %and3A_287 = arith.andi %shift_right_arithmetic3A_284, %and3A_286 : vector<32x32xi32>
    %convert_element_type3A_288 = arith.sitofp %and3A_287 : vector<32x32xi32> to vector<32x32xf32>
    %broadcast_in_dim3A_289 = vector.shape_cast %squeeze3A_278 : vector<32xf32> to vector<32x1xf32>
    %add3A_290 = vector.broadcast %broadcast_in_dim3A_289 : vector<32x1xf32> to vector<32x32xf32>
    %add3A_291 = arith.addf %add3A_276, %add3A_290 : vector<32x32xf32>
    %broadcast_in_dim3A_292 = vector.shape_cast %sub3A_281 : vector<32xf32> to vector<32x1xf32>
    %mul3A_293 = vector.broadcast %broadcast_in_dim3A_292 : vector<32x1xf32> to vector<32x32xf32>
    %mul3A_294 = arith.mulf %convert_element_type3A_288, %mul3A_293 : vector<32x32xf32>
    %add3A_295 = arith.addf %add3A_291, %mul3A_294 : vector<32x32xf32>
    %eq3A_296 = arith.constant 0 : i32
    %eq3A_297 = arith.cmpi eq, %arg1, %eq3A_296 : i32
    %slice3A_298 = vector.extract_strided_slice %add3A_295 {offsets = [0, 0], sizes = [16, 32], strides = [1, 1]} : vector<32x32xf32> to vector<16x32xf32>
    %slice3A_299 = vector.extract_strided_slice %add3A_295 {offsets = [16, 0], sizes = [16, 32], strides = [1, 1]} : vector<32x32xf32> to vector<16x32xf32>
    %select_n3A_300 = arith.select %eq3A_297, %slice3A_298, %slice3A_299 : vector<16x32xf32>
    %broadcast_in_dim3A_301 = vector.shape_cast %select_n3A_197 : vector<16x32xf32> to vector<16x1x32x1xf32>
    %broadcast_in_dim3A_302 = vector.shape_cast %select_n3A_300 : vector<16x32xf32> to vector<16x1x1x32xf32>
    %add3A_303 = vector.broadcast %broadcast_in_dim3A_301 : vector<16x1x32x1xf32> to vector<16x1x32x32xf32>
    %add3A_304 = vector.broadcast %broadcast_in_dim3A_302 : vector<16x1x1x32xf32> to vector<16x1x32x32xf32>
    %add3A_305 = arith.addf %add3A_303, %add3A_304 : vector<16x1x32x32xf32>
    %broadcast_in_dim3A_306 = vector.shape_cast %select_n3A : vector<16x32xf32> to vector<16x32x1x1xf32>
    %add3A_307 = vector.broadcast %broadcast_in_dim3A_306 : vector<16x32x1x1xf32> to vector<16x32x32x32xf32>
    %add3A_308 = vector.broadcast %add3A_305 : vector<16x1x32x32xf32> to vector<16x32x32x32xf32>
    %add3A_309 = arith.addf %add3A_307, %add3A_308 : vector<16x32x32x32xf32>
    %swap3A = arith.constant 0 : index
    %swap3A_310 = arith.constant 0 : index
    %swap3A_311 = arith.constant 0 : index
    %swap3A_312 = arith.constant 0 : index
    %swap3A_313 = arith.constant 0 : index
    %swap3A_314 = vector.load %arg3[%swap3A, %swap3A_310, %swap3A_311, %swap3A_312, %swap3A_313] : memref<1x16x32x32x32xf32, #tpu.memory_space<vmem>>, vector<1x16x32x32x32xf32>
    %swap3A_315 = vector.shape_cast %swap3A_314 : vector<1x16x32x32x32xf32> to vector<16x32x32x32xf32>
    %swap3A_316 = vector.shape_cast %add3A_309 : vector<16x32x32x32xf32> to vector<1x16x32x32x32xf32>
    tpu.vector_store %arg3[%swap3A, %swap3A_310, %swap3A_311, %swap3A_312, %swap3A_313], %swap3A_316 {strides = array<i32>} : memref<1x16x32x32x32xf32, #tpu.memory_space<vmem>>, vector<1x16x32x32x32xf32>,
    return
  }
  func.func @transform_0(%arg0: i32, %arg1: i32) -> (i32, i32, i32) {
    %c0_i32 = arith.constant 0 : i32
    %c0_i32_0 = arith.constant 0 : i32
    %c0_i32_1 = arith.constant 0 : i32
    return %arg0, %c0_i32, %c0_i32_0 : i32, i32, i32
  }
  func.func @transform_1(%arg0: i32, %arg1: i32) -> (i32, i32, i32, i32, i32) {
    %c0_i32 = arith.constant 0 : i32
    %c0_i32_0 = arith.constant 0 : i32
    %c0_i32_1 = arith.constant 0 : i32
    %c0_i32_2 = arith.constant 0 : i32
    return %arg0, %arg1, %c0_i32, %c0_i32_0, %c0_i32_1 : i32, i32, i32, i32, i32
  }
}

</mosaic_0001>

<sc_bundles>
// kernel: kernel.4.cloned.1.call-start
scs
__scs_entry_jumppad:
0x0: {  	(pc) =	sbr.rel $0x88, $3  }
0x1: {  	(tag) =	ssettag $0x0;
	lr =	simm.s32 $0x1  }
0x2: {  	[smem:$0x3F9E] =	sst lr;
	_ =	strace $0xD0000000  }
0x3: {  	_ = 	snop  }
0x4: {  	_ = 	snop  }
0x5: {  	_ = 	snop  }
0x6: {  	_ = 	snop  }
0x7: {  	_ = 	snop  }
__scs_overlays_trampoline_lowered:
0x8: {  	[smem:$0x3FAD] =	sst s0  }
0x9: {  	[smem:$0x3FAE] =	sst s1  }
0xa: {  	[smem:$0x3FAF] =	sst s2  }
0xb: {  	[smem:$0x3FB0] =	sst s3  }
0xc: {  	[smem:$0x3FB1] =	sst s4  }
0xd: {  	[smem:$0x3FB2] =	sst s5  }
0xe: {  	[smem:$0x3FB3] =	sst s6  }
0xf: {  	[smem:$0x3FB4] =	sst s7  }
0x10: {  	[smem:$0x3FB5] =	sst s8  }
0x11: {  	[smem:$0x3FB6] =	sst s9;
	s0 =	simm.s32 @!p0 $0x0  }
0x12: {  	s1 =	sld [smem:$0x3F9C];
	s0 =	simm.s32 @p0 $0x1  }
0x13: {  	[smem:$0x3FB7] =	sst s0;
	s0 =	simm.s32 @!p1 $0x0  }
0x14: {  	s2 =	sld [smem:$0x3F9B];
	s0 =	simm.s32 @p1 $0x1  }
0x15: {  	[smem:$0x3FB8] =	sst s0;
	s0 =	simm.s32 @!p2 $0x0  }
0x16: {  	s3 =	sld [smem:$0x3FDB];
	s0 =	simm.s32 @p2 $0x1  }
0x17: {  	s4 =	simm.s32 $0x1BF5;
	[smem:$0x3FBA] =	sst s0  }
0x18: {  	s0 =	sld [smem:$0x3F9D];
	_ =	swait.ge [sflag:s4], $0x0  }
0x19: {  	s7 =	sld [smem:$0x3F9E]  }
0x1a: {  	s8 =	sadd.s32 $0xFFFFE003, lr  }
0x1b: {  	s9 =	sadd.s32 $0xFFFFFEF7, lr;
	s5 =	simm.s32 $0xFFFFFFFF;
	p2 =	slt.u32 s8, $0xFFFFF086  }
0x1c: {  	p1 =	slt.u32 s9, $0xF7A;
	s5 =	simm.s32 @!p2 $0x0  }
0x1d: {  	s5 =	simm.s32 @p1 $0x1;
	p0 =	seq.s32 s7, s2  }
0x1e: {  	s7 =	smul.u32 @!p0 $0xF7A, s2;
	p2 =	seq.s32 @!p0 s5, $0x0  }
0x1f: {  	s9 =	smul.u32 $0xF7A, s1;
	s8 =	simm.s32 @!p0 $0x1BF5;
	p2 =	por !p2, p0  }
0x20: {  	[sflag:s8] =	ssyncset.s32 @!p0 $0xFFFFF086;
	s6 =	sadd.s32 @!p0 s3, s7;
	s7 =	simm.s32 @!p0 $0x108  }
0x21: {  	s3 =	sadd.s32 s3, s9;
	s6 =	sadd.s32 @!p0 $0x88, s6;
	s7 =	simm.s32 @p2 $0x1082  }
0x22: {  	[simem:s7], [sflag:s8] =	dma.local @!p0 [hbm:s6], $0xF7A  }
0x23: {  	s9 =	sor.u32 $0xD0000000, s2;
	s6 =	simm.s32 $0x108;
	_ =	swait.ge @!p0 [sflag:s8], $0x0  }
0x24: {  	s3 =	sadd.s32 $0x88, s3;
	s6 =	simm.s32 @!p1 $0x1082;
	[sflag:s4] =	ssyncset.s32 $0xFFFFF086  }
0x25: {  	[simem:s6], [sflag:s4] =	dma.local [hbm:s3], $0xF7A  }
0x26: {  	[smem:$0x3F9E] =	sst s1;
	(tag) =	ssettag s2;
	_ =	strace s9  }
0x27: {  	s1 =	sld [smem:$0x3FAE]  }
0x28: {  	s2 =	sld [smem:$0x3FAF]  }
0x29: {  	s4 =	sld [smem:$0x3FB1]  }
0x2a: {  	p0 =	seq.s32 s5, $0x0;
	s5 =	sld [smem:$0x3FB2]  }
0x2b: {  	s6 =	sld [smem:$0x3FB3]  }
0x2c: {  	s7 =	sld [smem:$0x3FB4]  }
0x2d: {  	s3 =	simm.s32 $0x108;
	s8 =	sld [smem:$0x3FB5]  }
0x2e: {  	s3 =	simm.s32 @!p0 $0x1082;
	s9 =	sld [smem:$0x3FB6]  }
0x2f: {  	lr =	sadd.s32 s0, s3;
	s0 =	sld [smem:$0x3FAD]  }
0x30: {  	s3 =	sld [smem:$0x3FB0]  }
0x31: {  	[smem:$0x3FB9] =	sst s10  }
0x32: {  	s10 =	sld [smem:$0x3FB7];
	_ =	sdelay $0x3  }
0x33: {  	p0 =	seq.s32 s10, $0x1;
	s10 =	sld [smem:$0x3FB9];
	_ =	sdelay $0x3  }
0x34: {  	[smem:$0x3FB9] =	sst s10  }
0x35: {  	s10 =	sld [smem:$0x3FB8];
	_ =	sdelay $0x3  }
0x36: {  	p1 =	seq.s32 s10, $0x1;
	s10 =	sld [smem:$0x3FB9];
	_ =	sdelay $0x3  }
0x37: {  	[smem:$0x3FB9] =	sst s10  }
0x38: {  	s10 =	sld [smem:$0x3FBA]  }
0x39: {  	_ = 	snop;
	(pc) =	sbr.ind lr, $3  }
0x3a: {  	_ = 	snop  }
0x3b: {  	_ = 	snop  }
0x3c: {  	p2 =	seq.s32 s10, $0x1;
	s10 =	sld [smem:$0x3FB9]  }
0x3d: {  	_ =	shalt  }
0x3e: {  	_ =	shalt  }
0x3f: {  	_ =	shalt  }
0x40: {  	_ =	shalt  }
0x41: {  	_ =	shalt  }
0x42: {  	_ =	shalt  }
0x43: {  	_ =	shalt  }
0x44: {  	_ =	shalt  }
0x45: {  	_ =	shalt  }
0x46: {  	_ =	shalt  }
0x47: {  	_ =	shalt  }
0x48: {  	_ =	shalt  }
0x49: {  	_ =	shalt  }
0x4a: {  	_ =	shalt  }
0x4b: {  	_ =	shalt  }
0x4c: {  	_ =	shalt  }
0x4d: {  	_ =	shalt  }
0x4e: {  	_ =	shalt  }
0x4f: {  	_ =	shalt  }
0x50: {  	_ =	shalt  }
0x51: {  	_ =	shalt  }
0x52: {  	_ =	shalt  }
0x53: {  	_ =	shalt  }
0x54: {  	_ =	shalt  }
0x55: {  	_ =	shalt  }
0x56: {  	_ =	shalt  }
0x57: {  	_ =	shalt  }
0x58: {  	_ =	shalt  }
0x59: {  	_ =	shalt  }
0x5a: {  	_ =	shalt  }
0x5b: {  	_ =	shalt  }
0x5c: {  	_ =	shalt  }
0x5d: {  	_ =	shalt  }
0x5e: {  	_ =	shalt  }
0x5f: {  	_ =	shalt  }
0x60: {  	_ =	shalt  }
0x61: {  	_ =	shalt  }
0x62: {  	_ =	shalt  }
0x63: {  	_ =	shalt  }
0x64: {  	_ =	shalt  }
0x65: {  	_ =	shalt  }
0x66: {  	_ =	shalt  }
0x67: {  	_ =	shalt  }
0x68: {  	_ =	shalt  }
0x69: {  	_ =	shalt  }
0x6a: {  	_ =	shalt  }
0x6b: {  	_ =	shalt  }
0x6c: {  	_ =	shalt  }
0x6d: {  	_ =	shalt  }
0x6e: {  	_ =	shalt  }
0x6f: {  	_ =	shalt  }
0x70: {  	_ =	shalt  }
0x71: {  	_ =	shalt  }
0x72: {  	_ =	shalt  }
0x73: {  	_ =	shalt  }
0x74: {  	_ =	shalt  }
0x75: {  	_ =	shalt  }
0x76: {  	_ =	shalt  }
0x77: {  	_ =	shalt  }
0x78: {  	_ =	shalt  }
0x79: {  	_ =	shalt  }
0x7a: {  	_ =	shalt  }
0x7b: {  	_ =	shalt  }
0x7c: {  	_ =	shalt  }
0x7d: {  	_ =	shalt  }
0x7e: {  	_ =	shalt  }
0x7f: {  	_ =	shalt  }
0x80: {  	_ =	shalt  }
0x81: {  	_ =	shalt  }
0x82: {  	_ =	shalt  }
0x83: {  	_ =	shalt  }
0x84: {  	_ =	shalt  }
0x85: {  	_ =	shalt  }
0x86: {  	_ =	shalt  }
0x87: {  	_ =	shalt  }
.Lfunc_end0:
.L_simem_size_0:
called_computation_lowered:
.L_overlay_start_0:
0x88: {  	s2 =	sld [smem:$0x3FD9]  }
0x89: {  	s3 =	sld [smem:$0x3FFE];
	_ =	sdelay $0x1  }
0x8a: {  	s1 =	srdreg.scid  }
0x8b: {  	s0 =	sand.u32 $0x1, s1  }
0x8c: {  	s15 =	sshll.u32 s0, $0xA;
	s2 =	sadd.s32 s3, s2  }
0x8d: {  	s2 =	sadd.s32 s2, s15  }
0x8e: {  	[smem:$0x3FC5] =	sst s2  }
0x8f: {  	_ = 	snop  }
0x90: {  	s2 =	sld [smem:$0x3FD0];
	_ =	sdelay $0x2  }
0x91: {  	s16 =	simm.s32 $0xA;
	s4 =	simm.s32 $0x10  }
0x92: {  	[smem:s4], [sflag:s16] =	dma.local [hbm:s2], $0x1  }
0x93: {  	_ =	swait.eq [sflag:s16], $0x1  }
0x94: {  	s17 =	sld [smem:$0x10];
	[sflag:s16] =	ssyncset.done $0x0  }
0x95: {  	s18 =	sld [smem:$0x11];
	[sflag:s16] =	ssyncadd.s32 $0xFFFFFFFF  }
0x96: {  	s19 =	sld [smem:$0x12];
	(tm) =	ssettm $0x1  }
0x97: {  	s5 =	sld [smem:$0x3FFB];
	_ =	sdelay $0x3  }
0x98: {  	_ =	strace s5  }
0x99: {  	s5 =	sld [smem:$0x3FFC];
	_ =	sdelay $0x3  }
0x9a: {  	_ =	strace s5  }
0x9b: {  	s5 =	sld [smem:$0x3FFD];
	_ =	sdelay $0x3  }
0x9c: {  	_ =	strace s5  }
0x9d: {  	_ =	strace $0x8FFFFFFF  }
0x9e: {  	s20 =	sld [smem:$0x3FDB];
	_ =	sdelay $0x1  }
0x9f: {  	s6 =	simm.s32 $_scs_section_size  }
0xa0: {  	s7 =	simm.s32 $_size__tile_overlayer_lowered;
	s8 =	simm.s32 $_tile_overlayer_lowered  }
0xa1: {  	s23 =	simm.s32 $0x1BFF;
	s22 =	sshll.u32 s8, $0x1;
	s5 =	sadd.s32 s6, s20  }
0xa2: {  	s9 =	simm.s32 $0x0;
	s21 =	sshll.u32 s7, $0x1;
	s7 =	sadd.s32 s22, s5  }
0xa3: {  	[timem:s9], [sflag:s23] =	dma.local [hbm:s7], s21  }
0xa4: {  	_ =	swait.ge [sflag:s23], s21  }
0xa5: {  	s6 =	ssub.s32 $0x0, s21;
	[sflag:s23] =	ssyncset.done $0x0  }
0xa6: {  	[sflag:s23] =	ssyncadd.s32 s6;
	_ =	sdelay $0x1  }
0xa7: {  	s24 =	simm.s32 $0x1B8B  }
0xa8: {  	_ =	swait.ge [sflag:s24], $0x1  }
0xa9: {  	[sflag:s24] =	ssyncset.done $0x0  }
0xaa: {  	s25 =	simm.s32 $0x1B8E;
	[sflag:s24] =	ssyncadd.s32 $0xFFFFFFFF  }
0xab: {  	s26 =	simm.s32 $execute0_lowered;
	[smem:$0x3FD2] =	sst s25  }
0xac: {  	s6 =	sshll.u32 s26, $0x1;
	_ =	strace $0x80000046;
	[dreg:$0x1] =	wrdreg $0xFFFFFFFF  }
0xad: {  	s28 =	simm.s32 $_size_execute0_lowered;
	s5 =	sadd.s32 s5, s6;
	[dreg:$0x0] =	wrdreg $0x0  }
0xae: {  	s6 =	sshll.u32 s28, $0x1;
	[dreg:$0x2] =	wrdreg s5  }
0xaf: {  	[dreg:$0x3] =	wrdreg s6  }
0xb0: {  	[dreg:$0x4] =	wrdreg $0xC0  }
0xb1: {  	_ =	task [dreg:s9], $0x5FFFF  }
0xb2: {  	[dreg:$0x1] =	wrdreg $0xFFFFFFFF  }
0xb3: {  	[dreg:$0x0] =	wrdreg $0x60  }
0xb4: {  	[dreg:$0x2] =	wrdreg s17  }
0xb5: {  	[dreg:$0x3] =	wrdreg s18  }
0xb6: {  	[dreg:$0x4] =	wrdreg s19  }
0xb7: {  	[dreg:$0x5] =	wrdreg $0x9  }
0xb8: {  	_ =	task.clear_ibuf [dreg:s9], $0x6FFFF;
	_ =	strace $0x90000046  }
0xb9: {  	s29 =	simm.s32 $0x9;
	_ =	strace $0x80000048  }
0xba: {  	_ =	swait.ge [sflag:s29], $0x1  }
0xbb: {  	[sflag:s29] =	ssyncadd.s32 $0xFFFFFFFF  }
0xbc: {  	_ =	strace $0x90000048  }
0xbd: {  	_ =	sfence  }
0xbe: {  	s30 =	sld [smem:$0x0];
	_ =	sdelay $0x2  }
0xbf: {  	s31 =	sshll.u32 s1, $0xD;
	s1 =	sshrl.u32 s1, $0x2  }
0xc0: {  	s3 =	sand.u32 $0x4000, s31;
	s1 =	sadd.s32 s1, s30  }
0xc1: {  	s0 =	sor.u32 s3, s0;
	s1 =	sshll.u32 s1, $0x11  }
0xc2: {  	s0 =	sor.u32 s1, s0  }
0xc3: {  	s0 =	sadd.s32 $0x8F2B, s0  }
0xc4: {  	[sflag:s0] =	ssyncadd.remote.s32 $0x1  }
0xc5: {  	_ =	sfence.sel $0xFFFF  }
0xc6: {  	[dreg:$0x0] =	wrdreg $0xFFFFFFFF;
	(pc) =	sbr.abs _section_cstart, $3  }
0xc7: {  	[dreg:$0x1] =	wrdreg $0xFFFFFFFF  }
0xc8: {  	_ =	task.clear_ibuf [dreg:s9], $0x2FFFF;
	_ =	strace $0x9FFFFFFF  }
0xc9: {  	(tm) =	ssettm $0x7FFFFFFF  }
tec
execute0_lowered:
.L_overlay_start_1:
0x0: {  	(tag) =	ssettag $0x1  }
0x1: {  	s0 =	rddreg [dreg:$0x0]  }
0x2: {  	s1 =	rddreg [dreg:$0x1];
	s2 =	srdreg.scid  }
0x3: {  	s18 =	rddreg [dreg:$0x2];
	s4 =	stileid.u32;
	s3 =	sand.u32 $0x1, s2  }
0x4: {  	s2 =	simm.s32 $0x0;
	s4 =	sshll.u32 s4, $0xB;
	s5 =	sshll.u32 s3, $0xA  }
0x5: {  	[smem:$0x7FF] =	sst s2;
	s6 =	ssub.s32 $0x2, s3;
	s3 =	sor.u32 s5, s4  }
0x6: {  	_ =	strace $0x80000047;
	s17 =	sshrl.u32 s6, $0x1;
	s15 =	sor.u32 $0x10, s3  }
0x7: {  	s19 =	ssub.s32 s6, s17;
	s4 =	sadd.s32 s0, s3;
	s16 =	sor.u32 $0x20, s3  }
0x8: {  	s17 =	sor.u32 $0x30, s3;
	s20 =	sor.u32 $0x40, s3;
	s14 =	sadd.s32 s18, s3  }
0x9: {  	s5 =	sadd.s32 s0, s15;
	s6 =	sadd.s32 s0, s16;
	s7 =	sadd.s32 s0, s17  }
0xa: {  	s8 =	sadd.s32 s0, s20;
	s10 =	sadd.s32 s1, s15;
	s11 =	sadd.s32 s1, s16  }
0xb: {  	s12 =	sadd.s32 s1, s17;
	s13 =	sadd.s32 s1, s20;
	s15 =	sadd.s32 s18, s15  }
0xc: {  	s16 =	sadd.s32 s18, s16;
	s17 =	sadd.s32 s18, s17;
	s19 =	smax.u32 s19, $0x1  }
0xd: {  	s18 =	sadd.s32 s18, s20;
	s20 =	sadd.s32 $0x80, s4;
	[dreg:$0x4] =	wrdreg s19  }
0xe: {  	s21 =	sadd.s32 $0x100, s4;
	[dreg:$0x5] =	wrdreg s20  }
0xf: {  	s22 =	sadd.s32 $0x180, s4;
	[dreg:$0x6] =	wrdreg s21  }
0x10: {  	s23 =	sadd.s32 $0x200, s4;
	[dreg:$0x7] =	wrdreg s22  }
0x11: {  	s24 =	sadd.s32 $0x280, s4;
	[dreg:$0x8] =	wrdreg s23  }
0x12: {  	s25 =	sadd.s32 $0x300, s4;
	[dreg:$0x9] =	wrdreg s24  }
0x13: {  	s26 =	sadd.s32 $0x380, s4;
	[dreg:$0xa] =	wrdreg s25  }
0x14: {  	[dreg:$0xb] =	wrdreg s26;
	s30 =	sadd.s32 $0x80, s5  }
0x15: {  	s31 =	sadd.s32 $0x100, s5;
	[dreg:$0xc] =	wrdreg s30  }
0x16: {  	s9 =	sadd.s32 s1, s3;
	s1 =	sadd.s32 $0x180, s5;
	[dreg:$0xd] =	wrdreg s31  }
0x17: {  	s19 =	sadd.s32 $0x200, s5;
	[dreg:$0xe] =	wrdreg s1  }
0x18: {  	s20 =	sadd.s32 $0x280, s5;
	[dreg:$0xf] =	wrdreg s19  }
0x19: {  	s21 =	sadd.s32 $0x300, s5;
	[dreg:$0x10] =	wrdreg s20  }
0x1a: {  	s22 =	sadd.s32 $0x380, s5;
	[dreg:$0x11] =	wrdreg s21  }
0x1b: {  	s23 =	sadd.s32 $0x80, s6;
	[dreg:$0x12] =	wrdreg s22  }
0x1c: {  	s24 =	sadd.s32 $0x100, s6;
	[dreg:$0x13] =	wrdreg s23  }
0x1d: {  	s25 =	sadd.s32 $0x180, s6;
	[dreg:$0x14] =	wrdreg s24  }
0x1e: {  	s26 =	sadd.s32 $0x200, s6;
	[dreg:$0x15] =	wrdreg s25  }
0x1f: {  	[dreg:$0x16] =	wrdreg s26;
	s30 =	sadd.s32 $0x280, s6  }
0x20: {  	s31 =	sadd.s32 $0x300, s6;
	[dreg:$0x17] =	wrdreg s30  }
0x21: {  	s1 =	sadd.s32 $0x380, s6;
	[dreg:$0x18] =	wrdreg s31  }
0x22: {  	s19 =	sadd.s32 $0x80, s7;
	[dreg:$0x19] =	wrdreg s1  }
0x23: {  	s20 =	sadd.s32 $0x100, s7;
	[dreg:$0x1a] =	wrdreg s19  }
0x24: {  	s21 =	sadd.s32 $0x180, s7;
	[dreg:$0x1b] =	wrdreg s20  }
0x25: {  	s22 =	sadd.s32 $0x200, s7;
	[dreg:$0x1c] =	wrdreg s21  }
0x26: {  	s23 =	sadd.s32 $0x280, s7;
	[dreg:$0x1d] =	wrdreg s22  }
0x27: {  	s24 =	sadd.s32 $0x300, s7;
	[dreg:$0x1e] =	wrdreg s23  }
0x28: {  	s25 =	sadd.s32 $0x380, s7;
	[dreg:$0x1f] =	wrdreg s24  }
0x29: {  	s26 =	sadd.s32 $0x80, s8;
	[smem:$0x7B8] =	sst s25  }
0x2a: {  	[smem:$0x7B9] =	sst s26;
	s30 =	sadd.s32 $0x100, s8  }
0x2b: {  	s31 =	sadd.s32 $0x180, s8;
	[smem:$0x7BA] =	sst s30  }
0x2c: {  	s1 =	sadd.s32 $0x200, s8;
	[smem:$0x7BB] =	sst s31  }
0x2d: {  	s19 =	sadd.s32 $0x280, s8;
	[smem:$0x7BC] =	sst s1  }
0x2e: {  	s20 =	sadd.s32 $0x300, s8;
	[smem:$0x7BD] =	sst s19  }
0x2f: {  	s21 =	sadd.s32 $0x380, s8;
	[smem:$0x7BE] =	sst s20  }
0x30: {  	s22 =	sadd.s32 $0x80, s9;
	[smem:$0x7BF] =	sst s21  }
0x31: {  	s23 =	sadd.s32 $0x100, s9;
	[smem:$0x7C0] =	sst s22  }
0x32: {  	s24 =	sadd.s32 $0x180, s9;
	[smem:$0x7C1] =	sst s23  }
0x33: {  	s25 =	sadd.s32 $0x200, s9;
	[smem:$0x7C2] =	sst s24  }
0x34: {  	s26 =	sadd.s32 $0x280, s9;
	[smem:$0x7C3] =	sst s25  }
0x35: {  	[smem:$0x7C4] =	sst s26;
	s30 =	sadd.s32 $0x300, s9  }
0x36: {  	s31 =	sadd.s32 $0x380, s9;
	[smem:$0x7C5] =	sst s30  }
0x37: {  	s1 =	sadd.s32 $0x80, s10;
	[smem:$0x7C6] =	sst s31  }
0x38: {  	s19 =	sadd.s32 $0x100, s10;
	[smem:$0x7C7] =	sst s1  }
0x39: {  	s20 =	sadd.s32 $0x180, s10;
	[smem:$0x7C8] =	sst s19  }
0x3a: {  	s21 =	sadd.s32 $0x200, s10;
	[smem:$0x7C9] =	sst s20  }
0x3b: {  	s22 =	sadd.s32 $0x280, s10;
	[smem:$0x7CA] =	sst s21  }
0x3c: {  	s23 =	sadd.s32 $0x300, s10;
	[smem:$0x7CB] =	sst s22  }
0x3d: {  	s24 =	sadd.s32 $0x380, s10;
	[smem:$0x7CC] =	sst s23  }
0x3e: {  	s25 =	sadd.s32 $0x80, s11;
	[smem:$0x7CD] =	sst s24  }
0x3f: {  	s26 =	sadd.s32 $0x100, s11;
	[smem:$0x7CE] =	sst s25  }
0x40: {  	[smem:$0x7CF] =	sst s26;
	s30 =	sadd.s32 $0x180, s11  }
0x41: {  	s31 =	sadd.s32 $0x200, s11;
	[smem:$0x7D0] =	sst s30  }
0x42: {  	s1 =	sadd.s32 $0x280, s11;
	[smem:$0x7D1] =	sst s31  }
0x43: {  	s19 =	sadd.s32 $0x300, s11;
	[smem:$0x7D2] =	sst s1  }
0x44: {  	s20 =	sadd.s32 $0x380, s11;
	[smem:$0x7D3] =	sst s19  }
0x45: {  	s21 =	sadd.s32 $0x80, s12;
	[smem:$0x7D4] =	sst s20  }
0x46: {  	s22 =	sadd.s32 $0x100, s12;
	[smem:$0x7D5] =	sst s21  }
0x47: {  	s23 =	sadd.s32 $0x180, s12;
	[smem:$0x7D6] =	sst s22  }
0x48: {  	s24 =	sadd.s32 $0x200, s12;
	[smem:$0x7D7] =	sst s23  }
0x49: {  	s25 =	sadd.s32 $0x280, s12;
	[smem:$0x7D8] =	sst s24  }
0x4a: {  	s26 =	sadd.s32 $0x300, s12;
	[smem:$0x7D9] =	sst s25  }
0x4b: {  	[smem:$0x7DA] =	sst s26;
	s30 =	sadd.s32 $0x380, s12  }
0x4c: {  	s31 =	sadd.s32 $0x80, s13;
	[smem:$0x7DB] =	sst s30  }
0x4d: {  	s1 =	sadd.s32 $0x100, s13;
	[smem:$0x7DC] =	sst s31  }
0x4e: {  	s19 =	sadd.s32 $0x180, s13;
	[smem:$0x7DD] =	sst s1  }
0x4f: {  	s20 =	sadd.s32 $0x200, s13;
	[smem:$0x7DE] =	sst s19  }
0x50: {  	s21 =	sadd.s32 $0x280, s13;
	[smem:$0x7DF] =	sst s20  }
0x51: {  	s22 =	sadd.s32 $0x300, s13;
	[smem:$0x7E0] =	sst s21  }
0x52: {  	s23 =	sadd.s32 $0x380, s13;
	[smem:$0x7E1] =	sst s22  }
0x53: {  	s24 =	sadd.s32 $0x80, s14;
	[smem:$0x7E2] =	sst s23  }
0x54: {  	s25 =	sadd.s32 $0x100, s14;
	[smem:$0x7E3] =	sst s24  }
0x55: {  	s26 =	sadd.s32 $0x180, s14;
	[smem:$0x7E4] =	sst s25  }
0x56: {  	[smem:$0x7E5] =	sst s26;
	s30 =	sadd.s32 $0x200, s14  }
0x57: {  	s31 =	sadd.s32 $0x280, s14;
	[smem:$0x7E6] =	sst s30  }
0x58: {  	s1 =	sadd.s32 $0x300, s14;
	[smem:$0x7E7] =	sst s31  }
0x59: {  	s19 =	sadd.s32 $0x380, s14;
	[smem:$0x7E8] =	sst s1  }
0x5a: {  	s20 =	sadd.s32 $0x80, s15;
	[smem:$0x7E9] =	sst s19  }
0x5b: {  	s21 =	sadd.s32 $0x100, s15;
	[smem:$0x7EA] =	sst s20  }
0x5c: {  	s22 =	sadd.s32 $0x180, s15;
	[smem:$0x7EB] =	sst s21  }
0x5d: {  	s23 =	sadd.s32 $0x200, s15;
	[smem:$0x7EC] =	sst s22  }
0x5e: {  	s24 =	sadd.s32 $0x280, s15;
	[smem:$0x7ED] =	sst s23  }
0x5f: {  	s25 =	sadd.s32 $0x300, s15;
	[smem:$0x7EE] =	sst s24  }
0x60: {  	s26 =	sadd.s32 $0x380, s15;
	[smem:$0x7EF] =	sst s25  }
0x61: {  	[smem:$0x7F0] =	sst s26;
	s30 =	sadd.s32 $0x80, s16  }
0x62: {  	s31 =	sadd.s32 $0x100, s16;
	[smem:$0x7F1] =	sst s30  }
0x63: {  	s1 =	sadd.s32 $0x180, s16;
	[smem:$0x7F2] =	sst s31  }
0x64: {  	s19 =	sadd.s32 $0x200, s16;
	[smem:$0x7F3] =	sst s1  }
0x65: {  	s20 =	sadd.s32 $0x280, s16;
	[smem:$0x7F4] =	sst s19  }
0x66: {  	s21 =	sadd.s32 $0x300, s16;
	[smem:$0x7F5] =	sst s20  }
0x67: {  	s22 =	sadd.s32 $0x380, s16;
	[smem:$0x7F6] =	sst s21  }
0x68: {  	s23 =	sadd.s32 $0x80, s17;
	[smem:$0x7F7] =	sst s22  }
0x69: {  	s24 =	sadd.s32 $0x100, s17;
	[smem:$0x7F8] =	sst s23  }
0x6a: {  	s25 =	sadd.s32 $0x180, s17;
	[smem:$0x7F9] =	sst s24  }
0x6b: {  	s26 =	sadd.s32 $0x200, s17;
	[smem:$0x7FA] =	sst s25  }
0x6c: {  	s28 =	simm.s32 $0x1;
	s29 =	simm.s32 $0x0;
	[smem:$0x7FB] =	sst s26  }
0x6d: {  	s30 =	sadd.s32 $0x280, s17;
	s31 =	sadd.s32 $0x300, s17;
	s19 =	sadd.s32 $0x380, s17  }
0x6e: {  	s20 =	sadd.s32 $0x80, s18;
	s21 =	sadd.s32 $0x100, s18;
	s22 =	sadd.s32 $0x180, s18  }
0x6f: {  	v0 =	vlaneseq.u32;
	s23 =	sadd.s32 $0x200, s18;
	s24 =	sadd.s32 $0x280, s18;
	[smem:$0x7FC] =	sst s30  }
0x70: {  	v1 =	vimm.s32 $0x1;
	v2 =	vand.u32 $0x1, v0;
	s25 =	sadd.s32 $0x300, s18;
	s26 =	sadd.s32 $0x380, s18;
	[smem:$0x7FD] =	sst s31  }
.LBB2_1:
0x71: {  	v3 =	vmov s3  }
0x72: {  	v4 =	vshrl.u32 v3, $0xE  }
0x73: {  	v4 =	vand.u32 $0x1, v4  }
0x74: {  	v4 =	vbroadcast v4, $0x0  }
0x75: {  	s31 =	simm.s32 $0x40  }
0x76: {  	[tilespmem:s31+$0x30] =	vst v4  }
0x77: {  	[tilespmem:s31+$0xFFFFFFC0] =	vst v4  }
0x78: {  	s0 =	simm.s32 $0x0;
	s30 =	simm.s32 $0xF0;
	s1 =	sadd.s32 $0x80, s3;
	[tilespmem:s31+$0xFFFFFFD0] =	vst v4  }
.LBB2_2:
0x79: {  	v5 =	vmov s1;
	s0 =	sadd.s32 $0x8, s0;
	[tilespmem:s31+$0xFFFFFFE0] =	vst v4  }
0x7a: {  	v5 =	vshrl.u32 v5, $0xE;
	p0 =	slt.u32 s0, $0x38;
	[tilespmem:s31+$0xFFFFFFF0] =	vst v4  }
0x7b: {  	v5 =	vand.u32 $0x1, v5;
	[tilespmem:s31+$0x0] =	vst v4  }
.Ltmp0:
0x7c: {  	v5 =	vbroadcast v5, $0x0;
	[tilespmem:s31+$0x10] =	vst v4;
	(pc) =	sbr.rel @p0 .LBB2_2-.Ltmp0, $4  }
0x7d: {  	[tilespmem:s31+$0x20] =	vst v4;
	s31 =	sadd.s32 $0x400, s31  }
0x7e: {  	[tilespmem:s31+$0x30] =	vst v5;
	v4 =	vmov v5  }
0x7f: {  	[tilespmem:s31+$0xFFFFFFC0] =	vst v4  }
0x80: {  	s1 =	sadd.s32 $0x80, s1;
	[tilespmem:s31+$0xFFFFFFD0] =	vst v4  }
0x81: {  	[tilespmem:s31+$0xFFFFFFE0] =	vst v4  }
0x82: {  	[tilespmem:s31+$0xFFFFFFF0] =	vst v4;
	v5 =	vshrl.u32 v3, $0xD  }
0x83: {  	[tilespmem:s31+$0x0] =	vst v4;
	v5 =	vand.u32 $0x1, v5  }
0x84: {  	[tilespmem:s31+$0x10] =	vst v4;
	v5 =	vbroadcast v5, $0x0  }
0x85: {  	[tilespmem:s31+$0x20] =	vst v4  }
0x86: {  	[tilespmem:s30+$0x0] =	vst v5  }
0x87: {  	[tilespmem:s30+$0xFFFFFF90] =	vst v5  }
0x88: {  	s0 =	simm.s32 $0x0;
	s31 =	simm.s32 $0x170;
	s1 =	sadd.s32 $0x80, s3;
	[tilespmem:s30+$0xFFFFFFA0] =	vst v5  }
.LBB2_4:
0x89: {  	v4 =	vmov s1;
	s0 =	sadd.s32 $0x8, s0;
	[tilespmem:s30+$0xFFFFFFB0] =	vst v5  }
0x8a: {  	v4 =	vshrl.u32 v4, $0xD;
	p0 =	slt.u32 s0, $0x38;
	[tilespmem:s30+$0xFFFFFFC0] =	vst v5  }
0x8b: {  	v4 =	vand.u32 $0x1, v4;
	[tilespmem:s30+$0xFFFFFFD0] =	vst v5  }
.Ltmp1:
0x8c: {  	v4 =	vbroadcast v4, $0x0;
	[tilespmem:s30+$0xFFFFFFE0] =	vst v5;
	(pc) =	sbr.rel @p0 .LBB2_4-.Ltmp1, $4  }
0x8d: {  	[tilespmem:s30+$0xFFFFFFF0] =	vst v5;
	s30 =	sadd.s32 $0x400, s30  }
0x8e: {  	[tilespmem:s30+$0x0] =	vst v4;
	v5 =	vmov v4  }
0x8f: {  	[tilespmem:s30+$0xFFFFFF90] =	vst v5  }
0x90: {  	s1 =	sadd.s32 $0x80, s1;
	[tilespmem:s30+$0xFFFFFFA0] =	vst v5  }
0x91: {  	[tilespmem:s30+$0xFFFFFFB0] =	vst v5  }
0x92: {  	[tilespmem:s30+$0xFFFFFFC0] =	vst v5;
	v4 =	vshrl.u32 v3, $0xC  }
0x93: {  	[tilespmem:s30+$0xFFFFFFD0] =	vst v5;
	v4 =	vand.u32 $0x1, v4  }
0x94: {  	[tilespmem:s30+$0xFFFFFFE0] =	vst v5;
	v4 =	vbroadcast v4, $0x0  }
0x95: {  	[tilespmem:s30+$0xFFFFFFF0] =	vst v5  }
0x96: {  	[tilespmem:s31+$0x0] =	vst v4  }
0x97: {  	[tilespmem:s31+$0xFFFFFF90] =	vst v4  }
0x98: {  	s0 =	simm.s32 $0x0;
	s30 =	simm.s32 $0x1F0;
	s1 =	sadd.s32 $0x80, s3;
	[tilespmem:s31+$0xFFFFFFA0] =	vst v4  }
.LBB2_6:
0x99: {  	v5 =	vmov s1;
	s0 =	sadd.s32 $0x8, s0;
	[tilespmem:s31+$0xFFFFFFB0] =	vst v4  }
0x9a: {  	v5 =	vshrl.u32 v5, $0xC;
	p0 =	slt.u32 s0, $0x38;
	[tilespmem:s31+$0xFFFFFFC0] =	vst v4  }
0x9b: {  	v5 =	vand.u32 $0x1, v5;
	[tilespmem:s31+$0xFFFFFFD0] =	vst v4  }
.Ltmp2:
0x9c: {  	v5 =	vbroadcast v5, $0x0;
	[tilespmem:s31+$0xFFFFFFE0] =	vst v4;
	(pc) =	sbr.rel @p0 .LBB2_6-.Ltmp2, $4  }
0x9d: {  	[tilespmem:s31+$0xFFFFFFF0] =	vst v4;
	s31 =	sadd.s32 $0x400, s31  }
0x9e: {  	[tilespmem:s31+$0x0] =	vst v5;
	v4 =	vmov v5  }
0x9f: {  	[tilespmem:s31+$0xFFFFFF90] =	vst v4  }
0xa0: {  	s1 =	sadd.s32 $0x80, s1;
	[tilespmem:s31+$0xFFFFFFA0] =	vst v4  }
0xa1: {  	[tilespmem:s31+$0xFFFFFFB0] =	vst v4  }
0xa2: {  	[tilespmem:s31+$0xFFFFFFC0] =	vst v4;
	v5 =	vshrl.u32 v3, $0xB  }
0xa3: {  	[tilespmem:s31+$0xFFFFFFD0] =	vst v4;
	v5 =	vand.u32 $0x1, v5  }
0xa4: {  	[tilespmem:s31+$0xFFFFFFE0] =	vst v4;
	v5 =	vbroadcast v5, $0x0  }
0xa5: {  	[tilespmem:s31+$0xFFFFFFF0] =	vst v4  }
0xa6: {  	[tilespmem:s30+$0x0] =	vst v5  }
0xa7: {  	[tilespmem:s30+$0xFFFFFF90] =	vst v5  }
0xa8: {  	s0 =	simm.s32 $0x0;
	s31 =	simm.s32 $0x270;
	s1 =	sadd.s32 $0x80, s3;
	[tilespmem:s30+$0xFFFFFFA0] =	vst v5  }
.LBB2_8:
0xa9: {  	v4 =	vmov s1;
	s0 =	sadd.s32 $0x8, s0;
	[tilespmem:s30+$0xFFFFFFB0] =	vst v5  }
0xaa: {  	v4 =	vshrl.u32 v4, $0xB;
	p0 =	slt.u32 s0, $0x38;
	[tilespmem:s30+$0xFFFFFFC0] =	vst v5  }
0xab: {  	v4 =	vand.u32 $0x1, v4;
	[tilespmem:s30+$0xFFFFFFD0] =	vst v5  }
.Ltmp3:
0xac: {  	v4 =	vbroadcast v4, $0x0;
	[tilespmem:s30+$0xFFFFFFE0] =	vst v5;
	(pc) =	sbr.rel @p0 .LBB2_8-.Ltmp3, $4  }
0xad: {  	[tilespmem:s30+$0xFFFFFFF0] =	vst v5;
	s30 =	sadd.s32 $0x400, s30  }
0xae: {  	[tilespmem:s30+$0x0] =	vst v4;
	v5 =	vmov v4  }
0xaf: {  	[tilespmem:s30+$0xFFFFFF90] =	vst v5  }
0xb0: {  	s1 =	sadd.s32 $0x80, s1;
	[tilespmem:s30+$0xFFFFFFA0] =	vst v5  }
0xb1: {  	[tilespmem:s30+$0xFFFFFFB0] =	vst v5  }
0xb2: {  	[tilespmem:s30+$0xFFFFFFC0] =	vst v5;
	v4 =	vshrl.u32 v3, $0xA  }
0xb3: {  	[tilespmem:s30+$0xFFFFFFD0] =	vst v5;
	v4 =	vand.u32 $0x1, v4  }
0xb4: {  	[tilespmem:s30+$0xFFFFFFE0] =	vst v5;
	v4 =	vbroadcast v4, $0x0  }
0xb5: {  	[tilespmem:s30+$0xFFFFFFF0] =	vst v5  }
0xb6: {  	[tilespmem:s31+$0x0] =	vst v4  }
0xb7: {  	[tilespmem:s31+$0xFFFFFF90] =	vst v4  }
0xb8: {  	s0 =	simm.s32 $0x0;
	s30 =	simm.s32 $0x2F0;
	s1 =	sadd.s32 $0x80, s3;
	[tilespmem:s31+$0xFFFFFFA0] =	vst v4  }
.LBB2_10:
0xb9: {  	v5 =	vmov s1;
	s0 =	sadd.s32 $0x8, s0;
	[tilespmem:s31+$0xFFFFFFB0] =	vst v4  }
0xba: {  	v5 =	vshrl.u32 v5, $0xA;
	p0 =	slt.u32 s0, $0x38;
	[tilespmem:s31+$0xFFFFFFC0] =	vst v4  }
0xbb: {  	v5 =	vand.u32 $0x1, v5;
	[tilespmem:s31+$0xFFFFFFD0] =	vst v4  }
.Ltmp4:
0xbc: {  	v5 =	vbroadcast v5, $0x0;
	[tilespmem:s31+$0xFFFFFFE0] =	vst v4;
	(pc) =	sbr.rel @p0 .LBB2_10-.Ltmp4, $4  }
0xbd: {  	[tilespmem:s31+$0xFFFFFFF0] =	vst v4;
	s31 =	sadd.s32 $0x400, s31  }
0xbe: {  	[tilespmem:s31+$0x0] =	vst v5;
	v4 =	vmov v5  }
0xbf: {  	[tilespmem:s31+$0xFFFFFF90] =	vst v4  }
0xc0: {  	s1 =	sadd.s32 $0x80, s1;
	[tilespmem:s31+$0xFFFFFFA0] =	vst v4  }
0xc1: {  	[tilespmem:s31+$0xFFFFFFB0] =	vst v4  }
0xc2: {  	[tilespmem:s31+$0xFFFFFFC0] =	vst v4;
	v5 =	vshrl.u32 v3, $0x9  }
0xc3: {  	[tilespmem:s31+$0xFFFFFFD0] =	vst v4;
	v5 =	vand.u32 $0x1, v5  }
0xc4: {  	[tilespmem:s31+$0xFFFFFFE0] =	vst v4;
	v5 =	vbroadcast v5, $0x0  }
0xc5: {  	[tilespmem:s31+$0xFFFFFFF0] =	vst v4  }
0xc6: {  	[tilespmem:s30+$0x0] =	vst v5  }
0xc7: {  	[tilespmem:s30+$0xFFFFFF90] =	vst v5  }
0xc8: {  	s0 =	simm.s32 $0x0;
	s31 =	simm.s32 $0x370;
	s1 =	sadd.s32 $0x80, s3;
	[tilespmem:s30+$0xFFFFFFA0] =	vst v5  }
.LBB2_12:
0xc9: {  	v4 =	vmov s1;
	s0 =	sadd.s32 $0x8, s0;
	[tilespmem:s30+$0xFFFFFFB0] =	vst v5  }
0xca: {  	v4 =	vshrl.u32 v4, $0x9;
	p0 =	slt.u32 s0, $0x38;
	[tilespmem:s30+$0xFFFFFFC0] =	vst v5  }
0xcb: {  	v4 =	vand.u32 $0x1, v4;
	[tilespmem:s30+$0xFFFFFFD0] =	vst v5  }
.Ltmp5:
0xcc: {  	v4 =	vbroadcast v4, $0x0;
	[tilespmem:s30+$0xFFFFFFE0] =	vst v5;
	(pc) =	sbr.rel @p0 .LBB2_12-.Ltmp5, $4  }
0xcd: {  	[tilespmem:s30+$0xFFFFFFF0] =	vst v5;
	s30 =	sadd.s32 $0x400, s30  }
0xce: {  	[tilespmem:s30+$0x0] =	vst v4;
	v5 =	vmov v4  }
0xcf: {  	[tilespmem:s30+$0xFFFFFF90] =	vst v5  }
0xd0: {  	s1 =	sadd.s32 $0x80, s1;
	[tilespmem:s30+$0xFFFFFFA0] =	vst v5  }
0xd1: {  	[tilespmem:s30+$0xFFFFFFB0] =	vst v5  }
0xd2: {  	[tilespmem:s30+$0xFFFFFFC0] =	vst v5;
	v4 =	vshrl.u32 v3, $0x8  }
0xd3: {  	[tilespmem:s30+$0xFFFFFFD0] =	vst v5;
	v4 =	vand.u32 $0x1, v4  }
0xd4: {  	[tilespmem:s30+$0xFFFFFFE0] =	vst v5;
	v4 =	vbroadcast v4, $0x0  }
0xd5: {  	[tilespmem:s30+$0xFFFFFFF0] =	vst v5  }
0xd6: {  	[tilespmem:s31+$0x0] =	vst v4  }
0xd7: {  	[tilespmem:s31+$0xFFFFFF90] =	vst v4  }
0xd8: {  	s0 =	simm.s32 $0x0;
	s30 =	simm.s32 $0x3F0;
	s1 =	sadd.s32 $0x80, s3;
	[tilespmem:s31+$0xFFFFFFA0] =	vst v4  }
.LBB2_14:
0xd9: {  	v5 =	vmov s1;
	s0 =	sadd.s32 $0x8, s0;
	[tilespmem:s31+$0xFFFFFFB0] =	vst v4  }
0xda: {  	v5 =	vshrl.u32 v5, $0x8;
	p0 =	slt.u32 s0, $0x38;
	[tilespmem:s31+$0xFFFFFFC0] =	vst v4  }
0xdb: {  	v5 =	vand.u32 $0x1, v5;
	[tilespmem:s31+$0xFFFFFFD0] =	vst v4  }
.Ltmp6:
0xdc: {  	v5 =	vbroadcast v5, $0x0;
	[tilespmem:s31+$0xFFFFFFE0] =	vst v4;
	(pc) =	sbr.rel @p0 .LBB2_14-.Ltmp6, $4  }
0xdd: {  	[tilespmem:s31+$0xFFFFFFF0] =	vst v4;
	s31 =	sadd.s32 $0x400, s31  }
0xde: {  	[tilespmem:s31+$0x0] =	vst v5;
	v4 =	vmov v5  }
0xdf: {  	[tilespmem:s31+$0xFFFFFF90] =	vst v4  }
0xe0: {  	s1 =	sadd.s32 $0x80, s1;
	[tilespmem:s31+$0xFFFFFFA0] =	vst v4  }
0xe1: {  	[tilespmem:s31+$0xFFFFFFB0] =	vst v4  }
0xe2: {  	[tilespmem:s31+$0xFFFFFFC0] =	vst v4;
	v5 =	vshrl.u32 v3, $0x7  }
0xe3: {  	[tilespmem:s31+$0xFFFFFFD0] =	vst v4;
	v5 =	vand.u32 $0x1, v5  }
0xe4: {  	[tilespmem:s31+$0xFFFFFFE0] =	vst v4;
	v5 =	vbroadcast v5, $0x0  }
0xe5: {  	[tilespmem:s31+$0xFFFFFFF0] =	vst v4  }
0xe6: {  	[tilespmem:s30+$0x0] =	vst v5  }
0xe7: {  	[tilespmem:s30+$0xFFFFFF90] =	vst v5  }
0xe8: {  	s0 =	simm.s32 $0x0;
	s31 =	simm.s32 $0x2070;
	s1 =	sadd.s32 $0x80, s3;
	[tilespmem:s30+$0xFFFFFFA0] =	vst v5  }
.LBB2_16:
0xe9: {  	v4 =	vmov s1;
	s0 =	sadd.s32 $0x8, s0;
	[tilespmem:s30+$0xFFFFFFB0] =	vst v5  }
0xea: {  	v4 =	vshrl.u32 v4, $0x7;
	p0 =	slt.u32 s0, $0x38;
	[tilespmem:s30+$0xFFFFFFC0] =	vst v5  }
0xeb: {  	v4 =	vand.u32 $0x1, v4;
	[tilespmem:s30+$0xFFFFFFD0] =	vst v5  }
.Ltmp7:
0xec: {  	v4 =	vbroadcast v4, $0x0;
	[tilespmem:s30+$0xFFFFFFE0] =	vst v5;
	(pc) =	sbr.rel @p0 .LBB2_16-.Ltmp7, $4  }
0xed: {  	[tilespmem:s30+$0xFFFFFFF0] =	vst v5;
	s30 =	sadd.s32 $0x400, s30  }
0xee: {  	[tilespmem:s30+$0x0] =	vst v4;
	v5 =	vmov v4  }
0xef: {  	[tilespmem:s30+$0xFFFFFF90] =	vst v5  }
0xf0: {  	s1 =	sadd.s32 $0x80, s1;
	[tilespmem:s30+$0xFFFFFFA0] =	vst v5  }
0xf1: {  	[tilespmem:s30+$0xFFFFFFB0] =	vst v5  }
0xf2: {  	[tilespmem:s30+$0xFFFFFFC0] =	vst v5;
	v4 =	vshrl.u32 v3, $0x6  }
0xf3: {  	[tilespmem:s30+$0xFFFFFFD0] =	vst v5;
	v4 =	vand.u32 $0x1, v4  }
0xf4: {  	[tilespmem:s30+$0xFFFFFFE0] =	vst v5;
	v4 =	vbroadcast v4, $0x0  }
0xf5: {  	[tilespmem:s30+$0xFFFFFFF0] =	vst v5  }
0xf6: {  	[tilespmem:s31+$0xFFFFFFC0] =	vst v4  }
0xf7: {  	[tilespmem:s31+$0xFFFFFF90] =	vst v4  }
0xf8: {  	s0 =	simm.s32 $0x0;
	s30 =	simm.s32 $0x20F0;
	s1 =	sadd.s32 $0x80, s3;
	[tilespmem:s31+$0xFFFFFFA0] =	vst v4  }
.LBB2_18:
0xf9: {  	v5 =	vmov s1;
	s0 =	sadd.s32 $0x8, s0;
	[tilespmem:s31+$0xFFFFFFB0] =	vst v4  }
0xfa: {  	v4 =	vshrl.u32 v5, $0x6;
	p0 =	slt.u32 s0, $0x38;
	[tilespmem:s31+$0xFFFFFFD0] =	vst v1  }
0xfb: {  	v4 =	vand.u32 $0x1, v4;
	[tilespmem:s31+$0xFFFFFFE0] =	vst v1  }
.Ltmp8:
0xfc: {  	v4 =	vbroadcast v4, $0x0;
	[tilespmem:s31+$0xFFFFFFF0] =	vst v1;
	(pc) =	sbr.rel @p0 .LBB2_18-.Ltmp8, $4  }
0xfd: {  	[tilespmem:s31+$0x0] =	vst v1;
	s31 =	sadd.s32 $0x400, s31  }
0xfe: {  	[tilespmem:s31+$0xFFFFFFC0] =	vst v4  }
0xff: {  	[tilespmem:s31+$0xFFFFFF90] =	vst v4  }
0x100: {  	s1 =	sadd.s32 $0x80, s1;
	[tilespmem:s31+$0xFFFFFFA0] =	vst v4  }
0x101: {  	[tilespmem:s31+$0xFFFFFFB0] =	vst v4  }
0x102: {  	[tilespmem:s31+$0xFFFFFFD0] =	vst v1;
	v4 =	vshrl.u32 v3, $0x5  }
0x103: {  	[tilespmem:s31+$0xFFFFFFE0] =	vst v1;
	v4 =	vand.u32 $0x1, v4  }
0x104: {  	[tilespmem:s31+$0xFFFFFFF0] =	vst v1;
	v4 =	vbroadcast v4, $0x0  }
0x105: {  	[tilespmem:s31+$0x0] =	vst v1  }
0x106: {  	[tilespmem:s30+$0xFFFFFFE0] =	vst v4  }
0x107: {  	[tilespmem:s30+$0xFFFFFF90] =	vst v4  }
0x108: {  	s0 =	simm.s32 $0x0;
	s31 =	simm.s32 $0x2170;
	s1 =	sadd.s32 $0x80, s3;
	[tilespmem:s30+$0xFFFFFFA0] =	vst v4  }
.LBB2_20:
0x109: {  	v5 =	vmov s1;
	s0 =	sadd.s32 $0x8, s0;
	[tilespmem:s30+$0xFFFFFFD0] =	vst v4  }
0x10a: {  	v4 =	vshrl.u32 v5, $0x5;
	p0 =	slt.u32 s0, $0x38;
	[tilespmem:s30+$0xFFFFFFB0] =	vst v1  }
0x10b: {  	v4 =	vand.u32 $0x1, v4;
	[tilespmem:s30+$0xFFFFFFC0] =	vst v1  }
.Ltmp9:
0x10c: {  	v4 =	vbroadcast v4, $0x0;
	[tilespmem:s30+$0xFFFFFFF0] =	vst v1;
	(pc) =	sbr.rel @p0 .LBB2_20-.Ltmp9, $4  }
0x10d: {  	[tilespmem:s30+$0x0] =	vst v1;
	s30 =	sadd.s32 $0x400, s30  }
0x10e: {  	[tilespmem:s30+$0xFFFFFFE0] =	vst v4  }
0x10f: {  	[tilespmem:s30+$0xFFFFFF90] =	vst v4  }
0x110: {  	s1 =	sadd.s32 $0x80, s1;
	[tilespmem:s30+$0xFFFFFFA0] =	vst v4  }
0x111: {  	[tilespmem:s30+$0xFFFFFFD0] =	vst v4  }
0x112: {  	[tilespmem:s30+$0xFFFFFFB0] =	vst v1;
	v3 =	vshrl.u32 v3, $0x4  }
0x113: {  	[tilespmem:s30+$0xFFFFFFC0] =	vst v1;
	v3 =	vand.u32 $0x1, v3  }
0x114: {  	[tilespmem:s30+$0xFFFFFFF0] =	vst v1;
	v3 =	vbroadcast v3, $0x0  }
0x115: {  	[tilespmem:s30+$0x0] =	vst v1  }
0x116: {  	[tilespmem:s31+$0xFFFFFFF0] =	vst v3  }
0x117: {  	[tilespmem:s31+$0xFFFFFF90] =	vst v3  }
0x118: {  	s0 =	simm.s32 $0x0;
	s30 =	simm.s32 $0x21F0;
	s1 =	sadd.s32 $0x80, s3;
	[tilespmem:s31+$0xFFFFFFB0] =	vst v3  }
.LBB2_22:
0x119: {  	v4 =	vmov s1;
	s0 =	sadd.s32 $0x8, s0;
	[tilespmem:s31+$0xFFFFFFD0] =	vst v3  }
0x11a: {  	v3 =	vshrl.u32 v4, $0x4;
	p0 =	slt.u32 s0, $0x38;
	[tilespmem:s31+$0xFFFFFFA0] =	vst v1  }
0x11b: {  	v3 =	vand.u32 $0x1, v3;
	[tilespmem:s31+$0xFFFFFFC0] =	vst v1  }
.Ltmp10:
0x11c: {  	v3 =	vbroadcast v3, $0x0;
	[tilespmem:s31+$0xFFFFFFE0] =	vst v1;
	(pc) =	sbr.rel @p0 .LBB2_22-.Ltmp10, $4  }
0x11d: {  	[tilespmem:s31+$0x0] =	vst v1;
	s31 =	sadd.s32 $0x400, s31  }
0x11e: {  	[tilespmem:s31+$0xFFFFFFF0] =	vst v3  }
0x11f: {  	[tilespmem:s31+$0xFFFFFF90] =	vst v3  }
0x120: {  	s1 =	sadd.s32 $0x80, s1;
	[tilespmem:s31+$0xFFFFFFB0] =	vst v3  }
0x121: {  	[tilespmem:s31+$0xFFFFFFD0] =	vst v3  }
0x122: {  	[tilespmem:s31+$0xFFFFFFA0] =	vst v1  }
0x123: {  	[tilespmem:s31+$0xFFFFFFC0] =	vst v1;
	v3 =	vor.u32 s3, v0  }
0x124: {  	[tilespmem:s31+$0xFFFFFFE0] =	vst v1;
	v4 =	vshrl.u32 v3, $0x3  }
0x125: {  	[tilespmem:s31+$0x0] =	vst v1;
	v4 =	vand.u32 $0x1, v4  }
0x126: {  	[tilespmem:s30+$0x0] =	vst v4  }
0x127: {  	[tilespmem:s30+$0xFFFFFF90] =	vst v4  }
0x128: {  	[tilespmem:s30+$0xFFFFFFA0] =	vst v4  }
0x129: {  	[tilespmem:s30+$0xFFFFFFB0] =	vst v4  }
0x12a: {  	s0 =	simm.s32 $0x0;
	s31 =	simm.s32 $0x2270;
	s1 =	sadd.s32 $0x80, s3;
	[tilespmem:s30+$0xFFFFFFC0] =	vst v4  }
.LBB2_24:
0x12b: {  	v5 =	vor.u32 s1, v0;
	s0 =	sadd.s32 $0x8, s0;
	[tilespmem:s30+$0xFFFFFFD0] =	vst v4  }
0x12c: {  	v5 =	vshrl.u32 v5, $0x3;
	p0 =	slt.u32 s0, $0x38;
	[tilespmem:s30+$0xFFFFFFE0] =	vst v4  }
0x12d: {  	[tilespmem:s30+$0xFFFFFFF0] =	vst v4;
	v4 =	vand.u32 $0x1, v5;
	s30 =	sadd.s32 $0x400, s30  }
.Ltmp11:
0x12e: {  	[tilespmem:s30+$0x0] =	vst v4;
	(pc) =	sbr.rel @p0 .LBB2_24-.Ltmp11, $4  }
0x12f: {  	[tilespmem:s30+$0xFFFFFF90] =	vst v4  }
0x130: {  	[tilespmem:s30+$0xFFFFFFA0] =	vst v4  }
0x131: {  	[tilespmem:s30+$0xFFFFFFB0] =	vst v4  }
0x132: {  	s1 =	sadd.s32 $0x80, s1;
	[tilespmem:s30+$0xFFFFFFC0] =	vst v4  }
0x133: {  	[tilespmem:s30+$0xFFFFFFD0] =	vst v4  }
0x134: {  	[tilespmem:s30+$0xFFFFFFE0] =	vst v4;
	v5 =	vshrl.u32 v3, $0x2  }
0x135: {  	[tilespmem:s30+$0xFFFFFFF0] =	vst v4;
	v4 =	vand.u32 $0x1, v5  }
0x136: {  	[tilespmem:s31+$0x0] =	vst v4  }
0x137: {  	[tilespmem:s31+$0xFFFFFF90] =	vst v4  }
0x138: {  	[tilespmem:s31+$0xFFFFFFA0] =	vst v4  }
0x139: {  	[tilespmem:s31+$0xFFFFFFB0] =	vst v4  }
0x13a: {  	s0 =	simm.s32 $0x0;
	s30 =	simm.s32 $0x22F0;
	s1 =	sadd.s32 $0x80, s3;
	[tilespmem:s31+$0xFFFFFFC0] =	vst v4  }
.LBB2_26:
0x13b: {  	v5 =	vor.u32 s1, v0;
	s0 =	sadd.s32 $0x8, s0;
	[tilespmem:s31+$0xFFFFFFD0] =	vst v4  }
0x13c: {  	v5 =	vshrl.u32 v5, $0x2;
	p0 =	slt.u32 s0, $0x38;
	[tilespmem:s31+$0xFFFFFFE0] =	vst v4  }
0x13d: {  	[tilespmem:s31+$0xFFFFFFF0] =	vst v4;
	v4 =	vand.u32 $0x1, v5;
	s31 =	sadd.s32 $0x400, s31  }
.Ltmp12:
0x13e: {  	[tilespmem:s31+$0x0] =	vst v4;
	(pc) =	sbr.rel @p0 .LBB2_26-.Ltmp12, $4  }
0x13f: {  	[tilespmem:s31+$0xFFFFFF90] =	vst v4  }
0x140: {  	[tilespmem:s31+$0xFFFFFFA0] =	vst v4  }
0x141: {  	[tilespmem:s31+$0xFFFFFFB0] =	vst v4  }
0x142: {  	s1 =	sadd.s32 $0x80, s1;
	[tilespmem:s31+$0xFFFFFFC0] =	vst v4  }
0x143: {  	[tilespmem:s31+$0xFFFFFFD0] =	vst v4  }
0x144: {  	[tilespmem:s31+$0xFFFFFFE0] =	vst v4;
	v3 =	vshrl.u32 v3, $0x1  }
0x145: {  	[tilespmem:s31+$0xFFFFFFF0] =	vst v4;
	v3 =	vand.u32 $0x1, v3  }
0x146: {  	[tilespmem:s30+$0x0] =	vst v3  }
0x147: {  	[tilespmem:s30+$0xFFFFFF90] =	vst v3  }
0x148: {  	[tilespmem:s30+$0xFFFFFFA0] =	vst v3  }
0x149: {  	[tilespmem:s30+$0xFFFFFFB0] =	vst v3  }
0x14a: {  	s0 =	simm.s32 $0x0;
	s31 =	simm.s32 $0x2370;
	s1 =	sadd.s32 $0x80, s3;
	[tilespmem:s30+$0xFFFFFFC0] =	vst v3  }
.LBB2_28:
0x14b: {  	v4 =	vor.u32 s1, v0;
	s0 =	sadd.s32 $0x8, s0;
	[tilespmem:s30+$0xFFFFFFD0] =	vst v3  }
0x14c: {  	v4 =	vshrl.u32 v4, $0x1;
	p0 =	slt.u32 s0, $0x38;
	[tilespmem:s30+$0xFFFFFFE0] =	vst v3  }
0x14d: {  	[tilespmem:s30+$0xFFFFFFF0] =	vst v3;
	v3 =	vand.u32 $0x1, v4;
	s30 =	sadd.s32 $0x400, s30  }
.Ltmp13:
0x14e: {  	[tilespmem:s30+$0x0] =	vst v3;
	(pc) =	sbr.rel @p0 .LBB2_28-.Ltmp13, $4  }
0x14f: {  	[tilespmem:s30+$0xFFFFFF90] =	vst v3  }
0x150: {  	[tilespmem:s30+$0xFFFFFFA0] =	vst v3  }
0x151: {  	[tilespmem:s30+$0xFFFFFFB0] =	vst v3  }
0x152: {  	s1 =	sadd.s32 $0x80, s1;
	[tilespmem:s30+$0xFFFFFFC0] =	vst v3  }
0x153: {  	[tilespmem:s30+$0xFFFFFFD0] =	vst v3  }
0x154: {  	[tilespmem:s30+$0xFFFFFFE0] =	vst v3  }
0x155: {  	[tilespmem:s30+$0xFFFFFFF0] =	vst v3  }
0x156: {  	[tilespmem:s31+$0xFFFFFF90] =	vst v2  }
0x157: {  	[tilespmem:s31+$0x0] =	vst v2  }
0x158: {  	[tilespmem:s31+$0xFFFFFFF0] =	vst v2  }
0x159: {  	[tilespmem:s31+$0xFFFFFFE0] =	vst v2  }
0x15a: {  	[tilespmem:s31+$0xFFFFFFD0] =	vst v2  }
0x15b: {  	[tilespmem:s31+$0xFFFFFFC0] =	vst v2  }
0x15c: {  	s0 =	simm.s32 $0x0;
	[tilespmem:s31+$0xFFFFFFB0] =	vst v2  }
.LBB2_30:
0x15d: {  	s0 =	sadd.s32 $0x8, s0;
	[tilespmem:s31+$0xFFFFFFA0] =	vst v2;
	s31 =	sadd.s32 $0x400, s31  }
0x15e: {  	[tilespmem:s31+$0xFFFFFF90] =	vst v2;
	p0 =	slt.u32 s0, $0x38  }
0x15f: {  	[tilespmem:s31+$0x0] =	vst v2  }
.Ltmp14:
0x160: {  	[tilespmem:s31+$0xFFFFFFF0] =	vst v2;
	(pc) =	sbr.rel @p0 .LBB2_30-.Ltmp14, $4  }
0x161: {  	[tilespmem:s31+$0xFFFFFFE0] =	vst v2  }
0x162: {  	[tilespmem:s31+$0xFFFFFFD0] =	vst v2  }
0x163: {  	[tilespmem:s31+$0xFFFFFFC0] =	vst v2  }
0x164: {  	[tilespmem:s31+$0xFFFFFFB0] =	vst v2  }
0x165: {  	[tilespmem:s31+$0xFFFFFFA0] =	vst v2  }
0x166: {  	[hbm4b:s4+s2] =	stream.linear.scatter [tilespmem:s2], [sflag:$0x1], $0x80, $0x38;
	[tilespmem:$0x4000] =	vst v63  }
0x167: {  	s1 =	simm.s32 $0x400;
	s0 =	rddreg [dreg:$0x5]  }
0x168: {  	[hbm4b:s0+s2] =	stream.linear.scatter [tilespmem:s1], [sflag:$0x1], $0x80, $0x38;
	[tilespmem:$0x4000] =	vst v63  }
0x169: {  	s31 =	simm.s32 $0x800;
	s30 =	rddreg [dreg:$0x6]  }
0x16a: {  	[hbm4b:s30+s2] =	stream.linear.scatter [tilespmem:s31], [sflag:$0x1], $0x80, $0x38;
	[tilespmem:$0x4000] =	vst v63  }
0x16b: {  	s30 =	rddreg [dreg:$0x7];
	s31 =	simm.s32 $0xC00  }
0x16c: {  	[hbm4b:s30+s2] =	stream.linear.scatter [tilespmem:s31], [sflag:$0x1], $0x80, $0x38;
	[tilespmem:$0x4000] =	vst v63  }
0x16d: {  	s30 =	rddreg [dreg:$0x8];
	s31 =	simm.s32 $0x1000  }
0x16e: {  	[hbm4b:s30+s2] =	stream.linear.scatter [tilespmem:s31], [sflag:$0x1], $0x80, $0x38;
	[tilespmem:$0x4000] =	vst v63  }
0x16f: {  	s30 =	rddreg [dreg:$0x9];
	s31 =	simm.s32 $0x1400  }
0x170: {  	[hbm4b:s30+s2] =	stream.linear.scatter [tilespmem:s31], [sflag:$0x1], $0x80, $0x38;
	[tilespmem:$0x4000] =	vst v63  }
0x171: {  	s30 =	rddreg [dreg:$0xa];
	s31 =	simm.s32 $0x1800  }
0x172: {  	[hbm4b:s30+s2] =	stream.linear.scatter [tilespmem:s31], [sflag:$0x1], $0x80, $0x38;
	[tilespmem:$0x4000] =	vst v63  }
0x173: {  	s30 =	rddreg [dreg:$0xb];
	s31 =	simm.s32 $0x1C00  }
0x174: {  	[hbm4b:s30+s2] =	stream.linear.scatter [tilespmem:s31], [sflag:$0x1], $0x80, $0x38;
	[tilespmem:$0x4000] =	vst v63  }
0x175: {  	s1 =	simm.s32 $0x80  }
0x176: {  	[hbm4b:s5+s2] =	stream.linear.scatter [tilespmem:s1], [sflag:$0x1], $0x80, $0x38;
	[tilespmem:$0x4000] =	vst v63  }
0x177: {  	s30 =	rddreg [dreg:$0xc];
	s31 =	simm.s32 $0x480  }
0x178: {  	[hbm4b:s30+s2] =	stream.linear.scatter [tilespmem:s31], [sflag:$0x1], $0x80, $0x38;
	[tilespmem:$0x4000] =	vst v63  }
0x179: {  	s30 =	rddreg [dreg:$0xd];
	s31 =	simm.s32 $0x880  }
0x17a: {  	[hbm4b:s30+s2] =	stream.linear.scatter [tilespmem:s31], [sflag:$0x1], $0x80, $0x38;
	[tilespmem:$0x4000] =	vst v63  }
0x17b: {  	s30 =	rddreg [dreg:$0xe];
	s31 =	simm.s32 $0xC80  }
0x17c: {  	[hbm4b:s30+s2] =	stream.linear.scatter [tilespmem:s31], [sflag:$0x1], $0x80, $0x38;
	[tilespmem:$0x4000] =	vst v63  }
0x17d: {  	s30 =	rddreg [dreg:$0xf];
	s31 =	simm.s32 $0x1080  }
0x17e: {  	[hbm4b:s30+s2] =	stream.linear.scatter [tilespmem:s31], [sflag:$0x1], $0x80, $0x38;
	[tilespmem:$0x4000] =	vst v63  }
0x17f: {  	s30 =	rddreg [dreg:$0x10];
	s31 =	simm.s32 $0x1480  }
0x180: {  	[hbm4b:s30+s2] =	stream.linear.scatter [tilespmem:s31], [sflag:$0x1], $0x80, $0x38;
	[tilespmem:$0x4000] =	vst v63  }
0x181: {  	s30 =	rddreg [dreg:$0x11];
	s31 =	simm.s32 $0x1880  }
0x182: {  	[hbm4b:s30+s2] =	stream.linear.scatter [tilespmem:s31], [sflag:$0x1], $0x80, $0x38;
	[tilespmem:$0x4000] =	vst v63  }
0x183: {  	s30 =	rddreg [dreg:$0x12];
	s31 =	simm.s32 $0x1C80  }
0x184: {  	[hbm4b:s30+s2] =	stream.linear.scatter [tilespmem:s31], [sflag:$0x1], $0x80, $0x38;
	[tilespmem:$0x4000] =	vst v63  }
0x185: {  	s1 =	simm.s32 $0x100  }
0x186: {  	[hbm4b:s6+s2] =	stream.linear.scatter [tilespmem:s1], [sflag:$0x1], $0x80, $0x38;
	[tilespmem:$0x4000] =	vst v63  }
0x187: {  	s30 =	rddreg [dreg:$0x13];
	s31 =	simm.s32 $0x500  }
0x188: {  	[hbm4b:s30+s2] =	stream.linear.scatter [tilespmem:s31], [sflag:$0x1], $0x80, $0x38;
	[tilespmem:$0x4000] =	vst v63  }
0x189: {  	s30 =	rddreg [dreg:$0x14];
	s31 =	simm.s32 $0x900  }
0x18a: {  	[hbm4b:s30+s2] =	stream.linear.scatter [tilespmem:s31], [sflag:$0x1], $0x80, $0x38;
	[tilespmem:$0x4000] =	vst v63  }
0x18b: {  	s30 =	rddreg [dreg:$0x15];
	s31 =	simm.s32 $0xD00  }
0x18c: {  	[hbm4b:s30+s2] =	stream.linear.scatter [tilespmem:s31], [sflag:$0x1], $0x80, $0x38;
	[tilespmem:$0x4000] =	vst v63  }
0x18d: {  	s30 =	rddreg [dreg:$0x16];
	s31 =	simm.s32 $0x1100  }
0x18e: {  	[hbm4b:s30+s2] =	stream.linear.scatter [tilespmem:s31], [sflag:$0x1], $0x80, $0x38;
	[tilespmem:$0x4000] =	vst v63  }
0x18f: {  	s30 =	rddreg [dreg:$0x17];
	s31 =	simm.s32 $0x1500  }
0x190: {  	[hbm4b:s30+s2] =	stream.linear.scatter [tilespmem:s31], [sflag:$0x1], $0x80, $0x38;
	[tilespmem:$0x4000] =	vst v63  }
0x191: {  	s30 =	rddreg [dreg:$0x18];
	s31 =	simm.s32 $0x1900  }
0x192: {  	[hbm4b:s30+s2] =	stream.linear.scatter [tilespmem:s31], [sflag:$0x1], $0x80, $0x38;
	[tilespmem:$0x4000] =	vst v63  }
0x193: {  	s30 =	rddreg [dreg:$0x19];
	s31 =	simm.s32 $0x1D00  }
0x194: {  	[hbm4b:s30+s2] =	stream.linear.scatter [tilespmem:s31], [sflag:$0x1], $0x80, $0x38;
	[tilespmem:$0x4000] =	vst v63  }
0x195: {  	s1 =	simm.s32 $0x180  }
0x196: {  	[hbm4b:s7+s2] =	stream.linear.scatter [tilespmem:s1], [sflag:$0x1], $0x80, $0x38;
	[tilespmem:$0x4000] =	vst v63  }
0x197: {  	s30 =	rddreg [dreg:$0x1a];
	s31 =	simm.s32 $0x580  }
0x198: {  	[hbm4b:s30+s2] =	stream.linear.scatter [tilespmem:s31], [sflag:$0x1], $0x80, $0x38;
	[tilespmem:$0x4000] =	vst v63  }
0x199: {  	s30 =	rddreg [dreg:$0x1b];
	s31 =	simm.s32 $0x980  }
0x19a: {  	[hbm4b:s30+s2] =	stream.linear.scatter [tilespmem:s31], [sflag:$0x1], $0x80, $0x38;
	[tilespmem:$0x4000] =	vst v63  }
0x19b: {  	s30 =	rddreg [dreg:$0x1c];
	s31 =	simm.s32 $0xD80  }
0x19c: {  	[hbm4b:s30+s2] =	stream.linear.scatter [tilespmem:s31], [sflag:$0x1], $0x80, $0x38;
	[tilespmem:$0x4000] =	vst v63  }
0x19d: {  	s30 =	rddreg [dreg:$0x1d];
	s31 =	simm.s32 $0x1180  }
0x19e: {  	[hbm4b:s30+s2] =	stream.linear.scatter [tilespmem:s31], [sflag:$0x1], $0x80, $0x38;
	[tilespmem:$0x4000] =	vst v63  }
0x19f: {  	s30 =	rddreg [dreg:$0x1e];
	s31 =	simm.s32 $0x1580  }
0x1a0: {  	[hbm4b:s30+s2] =	stream.linear.scatter [tilespmem:s31], [sflag:$0x1], $0x80, $0x38;
	[tilespmem:$0x4000] =	vst v63  }
0x1a1: {  	s30 =	rddreg [dreg:$0x1f];
	s31 =	simm.s32 $0x1980  }
0x1a2: {  	[hbm4b:s30+s2] =	stream.linear.scatter [tilespmem:s31], [sflag:$0x1], $0x80, $0x38;
	[tilespmem:$0x4000] =	vst v63  }
0x1a3: {  	s30 =	sld [smem:$0x7B8];
	_ =	sdelay $0x1  }
0x1a4: {  	s31 =	simm.s32 $0x1D80  }
0x1a5: {  	[hbm4b:s30+s2] =	stream.linear.scatter [tilespmem:s31], [sflag:$0x1], $0x80, $0x38;
	[tilespmem:$0x4000] =	vst v63  }
0x1a6: {  	s1 =	simm.s32 $0x200;
	s30 =	sld [smem:$0x7B9]  }
0x1a7: {  	[hbm4b:s8+s2] =	stream.linear.scatter [tilespmem:s1], [sflag:$0x1], $0x80, $0x38;
	[tilespmem:$0x4000] =	vst v63  }
0x1a8: {  	s31 =	simm.s32 $0x600  }
0x1a9: {  	[hbm4b:s30+s2] =	stream.linear.scatter [tilespmem:s31], [sflag:$0x1], $0x80, $0x38;
	[tilespmem:$0x4000] =	vst v63  }
0x1aa: {  	s30 =	sld [smem:$0x7BA];
	_ =	sdelay $0x1  }
0x1ab: {  	s31 =	simm.s32 $0xA00  }
0x1ac: {  	[hbm4b:s30+s2] =	stream.linear.scatter [tilespmem:s31], [sflag:$0x1], $0x80, $0x38;
	[tilespmem:$0x4000] =	vst v63  }
0x1ad: {  	s30 =	sld [smem:$0x7BB];
	_ =	sdelay $0x1  }
0x1ae: {  	s31 =	simm.s32 $0xE00  }
0x1af: {  	[hbm4b:s30+s2] =	stream.linear.scatter [tilespmem:s31], [sflag:$0x1], $0x80, $0x38;
	[tilespmem:$0x4000] =	vst v63  }
0x1b0: {  	s30 =	sld [smem:$0x7BC];
	_ =	sdelay $0x1  }
0x1b1: {  	s31 =	simm.s32 $0x1200  }
0x1b2: {  	[hbm4b:s30+s2] =	stream.linear.scatter [tilespmem:s31], [sflag:$0x1], $0x80, $0x38;
	[tilespmem:$0x4000] =	vst v63  }
0x1b3: {  	s30 =	sld [smem:$0x7BD];
	_ =	sdelay $0x1  }
0x1b4: {  	s31 =	simm.s32 $0x1600  }
0x1b5: {  	[hbm4b:s30+s2] =	stream.linear.scatter [tilespmem:s31], [sflag:$0x1], $0x80, $0x38;
	[tilespmem:$0x4000] =	vst v63  }
0x1b6: {  	s30 =	sld [smem:$0x7BE];
	_ =	sdelay $0x1  }
0x1b7: {  	s31 =	simm.s32 $0x1A00  }
0x1b8: {  	[hbm4b:s30+s2] =	stream.linear.scatter [tilespmem:s31], [sflag:$0x1], $0x80, $0x38;
	[tilespmem:$0x4000] =	vst v63  }
0x1b9: {  	s30 =	sld [smem:$0x7BF];
	_ =	sdelay $0x1  }
0x1ba: {  	s31 =	simm.s32 $0x1E00  }
0x1bb: {  	[hbm4b:s30+s2] =	stream.linear.scatter [tilespmem:s31], [sflag:$0x1], $0x80, $0x38;
	[tilespmem:$0x4000] =	vst v63  }
0x1bc: {  	s1 =	simm.s32 $0x280;
	s30 =	sld [smem:$0x7C0]  }
0x1bd: {  	[hbm4b:s9+s2] =	stream.linear.scatter [tilespmem:s1], [sflag:$0x1], $0x80, $0x38;
	[tilespmem:$0x4000] =	vst v63  }
0x1be: {  	s31 =	simm.s32 $0x680  }
0x1bf: {  	[hbm4b:s30+s2] =	stream.linear.scatter [tilespmem:s31], [sflag:$0x1], $0x80, $0x38;
	[tilespmem:$0x4000] =	vst v63  }
0x1c0: {  	s30 =	sld [smem:$0x7C1];
	_ =	sdelay $0x1  }
0x1c1: {  	s31 =	simm.s32 $0xA80  }
0x1c2: {  	[hbm4b:s30+s2] =	stream.linear.scatter [tilespmem:s31], [sflag:$0x1], $0x80, $0x38;
	[tilespmem:$0x4000] =	vst v63  }
0x1c3: {  	s30 =	sld [smem:$0x7C2];
	_ =	sdelay $0x1  }
0x1c4: {  	s31 =	simm.s32 $0xE80  }
0x1c5: {  	[hbm4b:s30+s2] =	stream.linear.scatter [tilespmem:s31], [sflag:$0x1], $0x80, $0x38;
	[tilespmem:$0x4000] =	vst v63  }
0x1c6: {  	s30 =	sld [smem:$0x7C3];
	_ =	sdelay $0x1  }
0x1c7: {  	s31 =	simm.s32 $0x1280  }
0x1c8: {  	[hbm4b:s30+s2] =	stream.linear.scatter [tilespmem:s31], [sflag:$0x1], $0x80, $0x38;
	[tilespmem:$0x4000] =	vst v63  }
0x1c9: {  	s30 =	sld [smem:$0x7C4];
	_ =	sdelay $0x1  }
0x1ca: {  	s31 =	simm.s32 $0x1680  }
0x1cb: {  	[hbm4b:s30+s2] =	stream.linear.scatter [tilespmem:s31], [sflag:$0x1], $0x80, $0x38;
	[tilespmem:$0x4000] =	vst v63  }
0x1cc: {  	s30 =	sld [smem:$0x7C5];
	_ =	sdelay $0x1  }
0x1cd: {  	s31 =	simm.s32 $0x1A80  }
0x1ce: {  	[hbm4b:s30+s2] =	stream.linear.scatter [tilespmem:s31], [sflag:$0x1], $0x80, $0x38;
	[tilespmem:$0x4000] =	vst v63  }
0x1cf: {  	s30 =	sld [smem:$0x7C6];
	_ =	sdelay $0x1  }
0x1d0: {  	s31 =	simm.s32 $0x1E80  }
0x1d1: {  	[hbm4b:s30+s2] =	stream.linear.scatter [tilespmem:s31], [sflag:$0x1], $0x80, $0x38;
	[tilespmem:$0x4000] =	vst v63  }
0x1d2: {  	s1 =	simm.s32 $0x300;
	s30 =	sld [smem:$0x7C7]  }
0x1d3: {  	[hbm4b:s10+s2] =	stream.linear.scatter [tilespmem:s1], [sflag:$0x1], $0x80, $0x38;
	[tilespmem:$0x4000] =	vst v63  }
0x1d4: {  	s31 =	simm.s32 $0x700  }
0x1d5: {  	[hbm4b:s30+s2] =	stream.linear.scatter [tilespmem:s31], [sflag:$0x1], $0x80, $0x38;
	[tilespmem:$0x4000] =	vst v63  }
0x1d6: {  	s30 =	sld [smem:$0x7C8];
	_ =	sdelay $0x1  }
0x1d7: {  	s31 =	simm.s32 $0xB00  }
0x1d8: {  	[hbm4b:s30+s2] =	stream.linear.scatter [tilespmem:s31], [sflag:$0x1], $0x80, $0x38;
	[tilespmem:$0x4000] =	vst v63  }
0x1d9: {  	s30 =	sld [smem:$0x7C9];
	_ =	sdelay $0x1  }
0x1da: {  	s31 =	simm.s32 $0xF00  }
0x1db: {  	[hbm4b:s30+s2] =	stream.linear.scatter [tilespmem:s31], [sflag:$0x1], $0x80, $0x38;
	[tilespmem:$0x4000] =	vst v63  }
0x1dc: {  	s30 =	sld [smem:$0x7CA];
	_ =	sdelay $0x1  }
0x1dd: {  	s31 =	simm.s32 $0x1300  }
0x1de: {  	[hbm4b:s30+s2] =	stream.linear.scatter [tilespmem:s31], [sflag:$0x1], $0x80, $0x38;
	[tilespmem:$0x4000] =	vst v63  }
0x1df: {  	s30 =	sld [smem:$0x7CB];
	_ =	sdelay $0x1  }
0x1e0: {  	s31 =	simm.s32 $0x1700  }
0x1e1: {  	[hbm4b:s30+s2] =	stream.linear.scatter [tilespmem:s31], [sflag:$0x1], $0x80, $0x38;
	[tilespmem:$0x4000] =	vst v63  }
0x1e2: {  	s30 =	sld [smem:$0x7CC];
	_ =	sdelay $0x1  }
0x1e3: {  	s31 =	simm.s32 $0x1B00  }
0x1e4: {  	[hbm4b:s30+s2] =	stream.linear.scatter [tilespmem:s31], [sflag:$0x1], $0x80, $0x38;
	[tilespmem:$0x4000] =	vst v63  }
0x1e5: {  	s30 =	sld [smem:$0x7CD];
	_ =	sdelay $0x1  }
0x1e6: {  	s31 =	simm.s32 $0x1F00  }
0x1e7: {  	[hbm4b:s30+s2] =	stream.linear.scatter [tilespmem:s31], [sflag:$0x1], $0x80, $0x38;
	[tilespmem:$0x4000] =	vst v63  }
0x1e8: {  	s1 =	simm.s32 $0x380;
	s30 =	sld [smem:$0x7CE]  }
0x1e9: {  	[hbm4b:s11+s2] =	stream.linear.scatter [tilespmem:s1], [sflag:$0x1], $0x80, $0x38;
	[tilespmem:$0x4000] =	vst v63  }
0x1ea: {  	s31 =	simm.s32 $0x780  }
0x1eb: {  	[hbm4b:s30+s2] =	stream.linear.scatter [tilespmem:s31], [sflag:$0x1], $0x80, $0x38;
	[tilespmem:$0x4000] =	vst v63  }
0x1ec: {  	s30 =	sld [smem:$0x7CF];
	_ =	sdelay $0x1  }
0x1ed: {  	s31 =	simm.s32 $0xB80  }
0x1ee: {  	[hbm4b:s30+s2] =	stream.linear.scatter [tilespmem:s31], [sflag:$0x1], $0x80, $0x38;
	[tilespmem:$0x4000] =	vst v63  }
0x1ef: {  	s30 =	sld [smem:$0x7D0];
	_ =	sdelay $0x1  }
0x1f0: {  	s31 =	simm.s32 $0xF80  }
0x1f1: {  	[hbm4b:s30+s2] =	stream.linear.scatter [tilespmem:s31], [sflag:$0x1], $0x80, $0x38;
	[tilespmem:$0x4000] =	vst v63  }
0x1f2: {  	s30 =	sld [smem:$0x7D1];
	_ =	sdelay $0x1  }
0x1f3: {  	s31 =	simm.s32 $0x1380  }
0x1f4: {  	[hbm4b:s30+s2] =	stream.linear.scatter [tilespmem:s31], [sflag:$0x1], $0x80, $0x38;
	[tilespmem:$0x4000] =	vst v63  }
0x1f5: {  	s30 =	sld [smem:$0x7D2];
	_ =	sdelay $0x1  }
0x1f6: {  	s31 =	simm.s32 $0x1780  }
0x1f7: {  	[hbm4b:s30+s2] =	stream.linear.scatter [tilespmem:s31], [sflag:$0x1], $0x80, $0x38;
	[tilespmem:$0x4000] =	vst v63  }
0x1f8: {  	s30 =	sld [smem:$0x7D3];
	_ =	sdelay $0x1  }
0x1f9: {  	s31 =	simm.s32 $0x1B80  }
0x1fa: {  	[hbm4b:s30+s2] =	stream.linear.scatter [tilespmem:s31], [sflag:$0x1], $0x80, $0x38;
	[tilespmem:$0x4000] =	vst v63  }
0x1fb: {  	s30 =	sld [smem:$0x7D4];
	_ =	sdelay $0x1  }
0x1fc: {  	s31 =	simm.s32 $0x1F80  }
0x1fd: {  	[hbm4b:s30+s2] =	stream.linear.scatter [tilespmem:s31], [sflag:$0x1], $0x80, $0x38;
	[tilespmem:$0x4000] =	vst v63  }
0x1fe: {  	s1 =	simm.s32 $0x2000;
	s30 =	sld [smem:$0x7D5]  }
0x1ff: {  	[hbm4b:s12+s2] =	stream.linear.scatter [tilespmem:s1], [sflag:$0x1], $0x80, $0x38;
	[tilespmem:$0x4000] =	vst v63  }
0x200: {  	s31 =	simm.s32 $0x2400  }
0x201: {  	[hbm4b:s30+s2] =	stream.linear.scatter [tilespmem:s31], [sflag:$0x1], $0x80, $0x38;
	[tilespmem:$0x4000] =	vst v63  }
0x202: {  	s30 =	sld [smem:$0x7D6];
	_ =	sdelay $0x1  }
0x203: {  	s31 =	simm.s32 $0x2800  }
0x204: {  	[hbm4b:s30+s2] =	stream.linear.scatter [tilespmem:s31], [sflag:$0x1], $0x80, $0x38;
	[tilespmem:$0x4000] =	vst v63  }
0x205: {  	s30 =	sld [smem:$0x7D7];
	_ =	sdelay $0x1  }
0x206: {  	s31 =	simm.s32 $0x2C00  }
0x207: {  	[hbm4b:s30+s2] =	stream.linear.scatter [tilespmem:s31], [sflag:$0x1], $0x80, $0x38;
	[tilespmem:$0x4000] =	vst v63  }
0x208: {  	s30 =	sld [smem:$0x7D8];
	_ =	sdelay $0x1  }
0x209: {  	s31 =	simm.s32 $0x3000  }
0x20a: {  	[hbm4b:s30+s2] =	stream.linear.scatter [tilespmem:s31], [sflag:$0x1], $0x80, $0x38;
	[tilespmem:$0x4000] =	vst v63  }
0x20b: {  	s30 =	sld [smem:$0x7D9];
	_ =	sdelay $0x1  }
0x20c: {  	s31 =	simm.s32 $0x3400  }
0x20d: {  	[hbm4b:s30+s2] =	stream.linear.scatter [tilespmem:s31], [sflag:$0x1], $0x80, $0x38;
	[tilespmem:$0x4000] =	vst v63  }
0x20e: {  	s30 =	sld [smem:$0x7DA];
	_ =	sdelay $0x1  }
0x20f: {  	s31 =	simm.s32 $0x3800  }
0x210: {  	[hbm4b:s30+s2] =	stream.linear.scatter [tilespmem:s31], [sflag:$0x1], $0x80, $0x38;
	[tilespmem:$0x4000] =	vst v63  }
0x211: {  	s30 =	sld [smem:$0x7DB];
	_ =	sdelay $0x1  }
0x212: {  	s31 =	simm.s32 $0x3C00  }
0x213: {  	[hbm4b:s30+s2] =	stream.linear.scatter [tilespmem:s31], [sflag:$0x1], $0x80, $0x38;
	[tilespmem:$0x4000] =	vst v63  }
0x214: {  	s1 =	simm.s32 $0x2080;
	s30 =	sld [smem:$0x7DC]  }
0x215: {  	[hbm4b:s13+s2] =	stream.linear.scatter [tilespmem:s1], [sflag:$0x1], $0x80, $0x38;
	[tilespmem:$0x4000] =	vst v63  }
0x216: {  	s31 =	simm.s32 $0x2480  }
0x217: {  	[hbm4b:s30+s2] =	stream.linear.scatter [tilespmem:s31], [sflag:$0x1], $0x80, $0x38;
	[tilespmem:$0x4000] =	vst v63  }
0x218: {  	s30 =	sld [smem:$0x7DD];
	_ =	sdelay $0x1  }
0x219: {  	s31 =	simm.s32 $0x2880  }
0x21a: {  	[hbm4b:s30+s2] =	stream.linear.scatter [tilespmem:s31], [sflag:$0x1], $0x80, $0x38;
	[tilespmem:$0x4000] =	vst v63  }
0x21b: {  	s30 =	sld [smem:$0x7DE];
	_ =	sdelay $0x1  }
0x21c: {  	s31 =	simm.s32 $0x2C80  }
0x21d: {  	[hbm4b:s30+s2] =	stream.linear.scatter [tilespmem:s31], [sflag:$0x1], $0x80, $0x38;
	[tilespmem:$0x4000] =	vst v63  }
0x21e: {  	s30 =	sld [smem:$0x7DF];
	_ =	sdelay $0x1  }
0x21f: {  	s31 =	simm.s32 $0x3080  }
0x220: {  	[hbm4b:s30+s2] =	stream.linear.scatter [tilespmem:s31], [sflag:$0x1], $0x80, $0x38;
	[tilespmem:$0x4000] =	vst v63  }
0x221: {  	s30 =	sld [smem:$0x7E0];
	_ =	sdelay $0x1  }
0x222: {  	s31 =	simm.s32 $0x3480  }
0x223: {  	[hbm4b:s30+s2] =	stream.linear.scatter [tilespmem:s31], [sflag:$0x1], $0x80, $0x38;
	[tilespmem:$0x4000] =	vst v63  }
0x224: {  	s30 =	sld [smem:$0x7E1];
	_ =	sdelay $0x1  }
0x225: {  	s31 =	simm.s32 $0x3880  }
0x226: {  	[hbm4b:s30+s2] =	stream.linear.scatter [tilespmem:s31], [sflag:$0x1], $0x80, $0x38;
	[tilespmem:$0x4000] =	vst v63  }
0x227: {  	s30 =	sld [smem:$0x7E2];
	_ =	sdelay $0x1  }
0x228: {  	s31 =	simm.s32 $0x3C80  }
0x229: {  	[hbm4b:s30+s2] =	stream.linear.scatter [tilespmem:s31], [sflag:$0x1], $0x80, $0x38;
	[tilespmem:$0x4000] =	vst v63  }
0x22a: {  	s1 =	simm.s32 $0x2100;
	s30 =	sld [smem:$0x7E3]  }
0x22b: {  	[hbm4b:s14+s2] =	stream.linear.scatter [tilespmem:s1], [sflag:$0x1], $0x80, $0x38;
	[tilespmem:$0x4000] =	vst v63  }
0x22c: {  	s31 =	simm.s32 $0x2500  }
0x22d: {  	[hbm4b:s30+s2] =	stream.linear.scatter [tilespmem:s31], [sflag:$0x1], $0x80, $0x38;
	[tilespmem:$0x4000] =	vst v63  }
0x22e: {  	s30 =	sld [smem:$0x7E4];
	_ =	sdelay $0x1  }
0x22f: {  	s31 =	simm.s32 $0x2900  }
0x230: {  	[hbm4b:s30+s2] =	stream.linear.scatter [tilespmem:s31], [sflag:$0x1], $0x80, $0x38;
	[tilespmem:$0x4000] =	vst v63  }
0x231: {  	s30 =	sld [smem:$0x7E5];
	_ =	sdelay $0x1  }
0x232: {  	s31 =	simm.s32 $0x2D00  }
0x233: {  	[hbm4b:s30+s2] =	stream.linear.scatter [tilespmem:s31], [sflag:$0x1], $0x80, $0x38;
	[tilespmem:$0x4000] =	vst v63  }
0x234: {  	s30 =	sld [smem:$0x7E6];
	_ =	sdelay $0x1  }
0x235: {  	s31 =	simm.s32 $0x3100  }
0x236: {  	[hbm4b:s30+s2] =	stream.linear.scatter [tilespmem:s31], [sflag:$0x1], $0x80, $0x38;
	[tilespmem:$0x4000] =	vst v63  }
0x237: {  	s30 =	sld [smem:$0x7E7];
	_ =	sdelay $0x1  }
0x238: {  	s31 =	simm.s32 $0x3500  }
0x239: {  	[hbm4b:s30+s2] =	stream.linear.scatter [tilespmem:s31], [sflag:$0x1], $0x80, $0x38;
	[tilespmem:$0x4000] =	vst v63  }
0x23a: {  	s30 =	sld [smem:$0x7E8];
	_ =	sdelay $0x1  }
0x23b: {  	s31 =	simm.s32 $0x3900  }
0x23c: {  	[hbm4b:s30+s2] =	stream.linear.scatter [tilespmem:s31], [sflag:$0x1], $0x80, $0x38;
	[tilespmem:$0x4000] =	vst v63  }
0x23d: {  	s30 =	sld [smem:$0x7E9];
	_ =	sdelay $0x1  }
0x23e: {  	s31 =	simm.s32 $0x3D00  }
0x23f: {  	[hbm4b:s30+s2] =	stream.linear.scatter [tilespmem:s31], [sflag:$0x1], $0x80, $0x38;
	[tilespmem:$0x4000] =	vst v63  }
0x240: {  	s1 =	simm.s32 $0x2180;
	s30 =	sld [smem:$0x7EA]  }
0x241: {  	[hbm4b:s15+s2] =	stream.linear.scatter [tilespmem:s1], [sflag:$0x1], $0x80, $0x38;
	[tilespmem:$0x4000] =	vst v63  }
0x242: {  	s31 =	simm.s32 $0x2580  }
0x243: {  	[hbm4b:s30+s2] =	stream.linear.scatter [tilespmem:s31], [sflag:$0x1], $0x80, $0x38;
	[tilespmem:$0x4000] =	vst v63  }
0x244: {  	s30 =	sld [smem:$0x7EB];
	_ =	sdelay $0x1  }
0x245: {  	s31 =	simm.s32 $0x2980  }
0x246: {  	[hbm4b:s30+s2] =	stream.linear.scatter [tilespmem:s31], [sflag:$0x1], $0x80, $0x38;
	[tilespmem:$0x4000] =	vst v63  }
0x247: {  	s30 =	sld [smem:$0x7EC];
	_ =	sdelay $0x1  }
0x248: {  	s31 =	simm.s32 $0x2D80  }
0x249: {  	[hbm4b:s30+s2] =	stream.linear.scatter [tilespmem:s31], [sflag:$0x1], $0x80, $0x38;
	[tilespmem:$0x4000] =	vst v63  }
0x24a: {  	s30 =	sld [smem:$0x7ED];
	_ =	sdelay $0x1  }
0x24b: {  	s31 =	simm.s32 $0x3180  }
0x24c: {  	[hbm4b:s30+s2] =	stream.linear.scatter [tilespmem:s31], [sflag:$0x1], $0x80, $0x38;
	[tilespmem:$0x4000] =	vst v63  }
0x24d: {  	s30 =	sld [smem:$0x7EE];
	_ =	sdelay $0x1  }
0x24e: {  	s31 =	simm.s32 $0x3580  }
0x24f: {  	[hbm4b:s30+s2] =	stream.linear.scatter [tilespmem:s31], [sflag:$0x1], $0x80, $0x38;
	[tilespmem:$0x4000] =	vst v63  }
0x250: {  	s30 =	sld [smem:$0x7EF];
	_ =	sdelay $0x1  }
0x251: {  	s31 =	simm.s32 $0x3980  }
0x252: {  	[hbm4b:s30+s2] =	stream.linear.scatter [tilespmem:s31], [sflag:$0x1], $0x80, $0x38;
	[tilespmem:$0x4000] =	vst v63  }
0x253: {  	s30 =	sld [smem:$0x7F0];
	_ =	sdelay $0x1  }
0x254: {  	s31 =	simm.s32 $0x3D80  }
0x255: {  	[hbm4b:s30+s2] =	stream.linear.scatter [tilespmem:s31], [sflag:$0x1], $0x80, $0x38;
	[tilespmem:$0x4000] =	vst v63  }
0x256: {  	s1 =	simm.s32 $0x2200;
	s30 =	sld [smem:$0x7F1]  }
0x257: {  	[hbm4b:s16+s2] =	stream.linear.scatter [tilespmem:s1], [sflag:$0x1], $0x80, $0x38;
	[tilespmem:$0x4000] =	vst v63  }
0x258: {  	s31 =	simm.s32 $0x2600  }
0x259: {  	[hbm4b:s30+s2] =	stream.linear.scatter [tilespmem:s31], [sflag:$0x1], $0x80, $0x38;
	[tilespmem:$0x4000] =	vst v63  }
0x25a: {  	s30 =	sld [smem:$0x7F2];
	_ =	sdelay $0x1  }
0x25b: {  	s31 =	simm.s32 $0x2A00  }
0x25c: {  	[hbm4b:s30+s2] =	stream.linear.scatter [tilespmem:s31], [sflag:$0x1], $0x80, $0x38;
	[tilespmem:$0x4000] =	vst v63  }
0x25d: {  	s30 =	sld [smem:$0x7F3];
	_ =	sdelay $0x1  }
0x25e: {  	s31 =	simm.s32 $0x2E00  }
0x25f: {  	[hbm4b:s30+s2] =	stream.linear.scatter [tilespmem:s31], [sflag:$0x1], $0x80, $0x38;
	[tilespmem:$0x4000] =	vst v63  }
0x260: {  	s30 =	sld [smem:$0x7F4];
	_ =	sdelay $0x1  }
0x261: {  	s31 =	simm.s32 $0x3200  }
0x262: {  	[hbm4b:s30+s2] =	stream.linear.scatter [tilespmem:s31], [sflag:$0x1], $0x80, $0x38;
	[tilespmem:$0x4000] =	vst v63  }
0x263: {  	s30 =	sld [smem:$0x7F5];
	_ =	sdelay $0x1  }
0x264: {  	s31 =	simm.s32 $0x3600  }
0x265: {  	[hbm4b:s30+s2] =	stream.linear.scatter [tilespmem:s31], [sflag:$0x1], $0x80, $0x38;
	[tilespmem:$0x4000] =	vst v63  }
0x266: {  	s30 =	sld [smem:$0x7F6];
	_ =	sdelay $0x1  }
0x267: {  	s31 =	simm.s32 $0x3A00  }
0x268: {  	[hbm4b:s30+s2] =	stream.linear.scatter [tilespmem:s31], [sflag:$0x1], $0x80, $0x38;
	[tilespmem:$0x4000] =	vst v63  }
0x269: {  	s30 =	sld [smem:$0x7F7];
	_ =	sdelay $0x1  }
0x26a: {  	s31 =	simm.s32 $0x3E00  }
0x26b: {  	[hbm4b:s30+s2] =	stream.linear.scatter [tilespmem:s31], [sflag:$0x1], $0x80, $0x38;
	[tilespmem:$0x4000] =	vst v63  }
0x26c: {  	s1 =	simm.s32 $0x2280;
	s30 =	sld [smem:$0x7F8]  }
0x26d: {  	[hbm4b:s17+s2] =	stream.linear.scatter [tilespmem:s1], [sflag:$0x1], $0x80, $0x38;
	[tilespmem:$0x4000] =	vst v63  }
0x26e: {  	s31 =	simm.s32 $0x2680  }
0x26f: {  	[hbm4b:s30+s2] =	stream.linear.scatter [tilespmem:s31], [sflag:$0x1], $0x80, $0x38;
	[tilespmem:$0x4000] =	vst v63  }
0x270: {  	s30 =	sld [smem:$0x7F9];
	_ =	sdelay $0x1  }
0x271: {  	s31 =	simm.s32 $0x2A80  }
0x272: {  	[hbm4b:s30+s2] =	stream.linear.scatter [tilespmem:s31], [sflag:$0x1], $0x80, $0x38;
	[tilespmem:$0x4000] =	vst v63  }
0x273: {  	s30 =	sld [smem:$0x7FA];
	_ =	sdelay $0x1  }
0x274: {  	s31 =	simm.s32 $0x2E80  }
0x275: {  	[hbm4b:s30+s2] =	stream.linear.scatter [tilespmem:s31], [sflag:$0x1], $0x80, $0x38;
	[tilespmem:$0x4000] =	vst v63  }
0x276: {  	s30 =	sld [smem:$0x7FB];
	_ =	sdelay $0x1  }
0x277: {  	s31 =	simm.s32 $0x3280  }
0x278: {  	[hbm4b:s30+s2] =	stream.linear.scatter [tilespmem:s31], [sflag:$0x1], $0x80, $0x38;
	[tilespmem:$0x4000] =	vst v63  }
0x279: {  	s30 =	sld [smem:$0x7FC];
	_ =	sdelay $0x1  }
0x27a: {  	s1 =	sld [smem:$0x7FD];
	s31 =	simm.s32 $0x3680  }
0x27b: {  	[hbm4b:s30+s2] =	stream.linear.scatter [tilespmem:s31], [sflag:$0x1], $0x80, $0x38;
	[tilespmem:$0x4000] =	vst v63  }
0x27c: {  	s30 =	simm.s32 $0x3A80  }
0x27d: {  	[hbm4b:s1+s2] =	stream.linear.scatter [tilespmem:s30], [sflag:$0x1], $0x80, $0x38;
	[tilespmem:$0x4000] =	vst v63  }
0x27e: {  	s31 =	simm.s32 $0x3E80  }
0x27f: {  	[hbm4b:s19+s2] =	stream.linear.scatter [tilespmem:s31], [sflag:$0x1], $0x80, $0x38;
	[tilespmem:$0x4000] =	vst v63  }
0x280: {  	s1 =	simm.s32 $0x2300  }
0x281: {  	[hbm4b:s18+s2] =	stream.linear.scatter [tilespmem:s1], [sflag:$0x1], $0x100, $0x38;
	[tilespmem:$0x4000] =	vst v63  }
0x282: {  	s30 =	simm.s32 $0x2700  }
0x283: {  	[hbm4b:s20+s2] =	stream.linear.scatter [tilespmem:s30], [sflag:$0x1], $0x100, $0x38;
	[tilespmem:$0x4000] =	vst v63  }
0x284: {  	s31 =	simm.s32 $0x2B00  }
0x285: {  	[hbm4b:s21+s2] =	stream.linear.scatter [tilespmem:s31], [sflag:$0x1], $0x100, $0x38;
	[tilespmem:$0x4000] =	vst v63  }
0x286: {  	s1 =	simm.s32 $0x2F00  }
0x287: {  	[hbm4b:s22+s2] =	stream.linear.scatter [tilespmem:s1], [sflag:$0x1], $0x100, $0x38;
	[tilespmem:$0x4000] =	vst v63  }
0x288: {  	s30 =	simm.s32 $0x3300  }
0x289: {  	[hbm4b:s23+s2] =	stream.linear.scatter [tilespmem:s30], [sflag:$0x1], $0x100, $0x38;
	[tilespmem:$0x4000] =	vst v63  }
0x28a: {  	s31 =	simm.s32 $0x3700  }
0x28b: {  	[hbm4b:s24+s2] =	stream.linear.scatter [tilespmem:s31], [sflag:$0x1], $0x100, $0x38;
	[tilespmem:$0x4000] =	vst v63  }
0x28c: {  	s1 =	simm.s32 $0x3B00  }
0x28d: {  	[hbm4b:s25+s2] =	stream.linear.scatter [tilespmem:s1], [sflag:$0x1], $0x100, $0x38;
	[tilespmem:$0x4000] =	vst v63  }
0x28e: {  	s30 =	simm.s32 $0x3F00  }
0x28f: {  	[hbm4b:s26+s2] =	stream.linear.scatter [tilespmem:s30], [sflag:$0x1], $0x100, $0x38;
	[tilespmem:$0x4000] =	vst v63  }
0x290: {  	_ =	swait.ge [sflag:s28], $0x400  }
0x291: {  	[sflag:s28] =	ssyncset.done $0x0  }
0x292: {  	[sflag:s28] =	ssyncadd.s32 $0xFFFFFC00  }
0x293: {  	_ =	swait.ge [sflag:s28], $0x400  }
0x294: {  	[sflag:s28] =	ssyncset.done $0x0  }
0x295: {  	[sflag:s28] =	ssyncadd.s32 $0xFFFFFC00  }
0x296: {  	_ =	swait.ge [sflag:s28], $0x400  }
0x297: {  	[sflag:s28] =	ssyncset.done $0x0  }
0x298: {  	[sflag:s28] =	ssyncadd.s32 $0xFFFFFC00  }
0x299: {  	_ =	swait.ge [sflag:s28], $0x400  }
0x29a: {  	[sflag:s28] =	ssyncset.done $0x0  }
0x29b: {  	[sflag:s28] =	ssyncadd.s32 $0xFFFFFC00  }
0x29c: {  	_ =	swait.ge [sflag:s28], $0x400  }
0x29d: {  	[sflag:s28] =	ssyncset.done $0x0  }
0x29e: {  	[sflag:s28] =	ssyncadd.s32 $0xFFFFFC00  }
0x29f: {  	_ =	swait.ge [sflag:s28], $0x400  }
0x2a0: {  	[sflag:s28] =	ssyncset.done $0x0  }
0x2a1: {  	[sflag:s28] =	ssyncadd.s32 $0xFFFFFC00  }
0x2a2: {  	_ =	swait.ge [sflag:s28], $0x400  }
0x2a3: {  	[sflag:s28] =	ssyncset.done $0x0  }
0x2a4: {  	[sflag:s28] =	ssyncadd.s32 $0xFFFFFC00  }
0x2a5: {  	_ =	swait.ge [sflag:s28], $0x400  }
0x2a6: {  	[sflag:s28] =	ssyncset.done $0x0  }
0x2a7: {  	[sflag:s28] =	ssyncadd.s32 $0xFFFFFC00  }
0x2a8: {  	_ =	swait.ge [sflag:s28], $0x400  }
0x2a9: {  	[sflag:s28] =	ssyncset.done $0x0  }
0x2aa: {  	[sflag:s28] =	ssyncadd.s32 $0xFFFFFC00  }
0x2ab: {  	_ =	swait.ge [sflag:s28], $0x400  }
0x2ac: {  	[sflag:s28] =	ssyncset.done $0x0  }
0x2ad: {  	[sflag:s28] =	ssyncadd.s32 $0xFFFFFC00  }
0x2ae: {  	_ =	swait.ge [sflag:s28], $0x400  }
0x2af: {  	[sflag:s28] =	ssyncset.done $0x0  }
0x2b0: {  	[sflag:s28] =	ssyncadd.s32 $0xFFFFFC00  }
0x2b1: {  	_ =	swait.ge [sflag:s28], $0x400  }
0x2b2: {  	[sflag:s28] =	ssyncset.done $0x0  }
0x2b3: {  	[sflag:s28] =	ssyncadd.s32 $0xFFFFFC00  }
0x2b4: {  	_ =	swait.ge [sflag:s28], $0x400  }
0x2b5: {  	[sflag:s28] =	ssyncset.done $0x0  }
0x2b6: {  	[sflag:s28] =	ssyncadd.s32 $0xFFFFFC00  }
0x2b7: {  	_ =	swait.ge [sflag:s28], $0x400  }
0x2b8: {  	[sflag:s28] =	ssyncset.done $0x0  }
0x2b9: {  	[sflag:s28] =	ssyncadd.s32 $0xFFFFFC00  }
0x2ba: {  	_ =	swait.ge [sflag:s28], $0x800  }
0x2bb: {  	s29 =	sadd.s32 $0x1, s29;
	s31 =	rddreg [dreg:$0x4]  }
0x2bc: {  	p0 =	sne.s32 s29, s31  }
.Ltmp15:
0x2bd: {  	_ = 	snop;
	(pc) =	sbr.rel @p0 .LBB2_1-.Ltmp15, $3  }
0x2be: {  	_ =	sdelay $0x1  }
0x2bf: {  	[sflag:s28] =	ssyncset.done $0x0  }
0x2c0: {  	[sflag:s28] =	ssyncadd.s32 $0xFFFFF800  }
0x2c1: {  	_ =	sfence.sel $0x180000  }
0x2c2: {  	[bflag:$0x0] =	sbarrier.arrive $0xFFFF  }
0x2c3: {  	_ =	strace $0x90000047  }
0x2c4: {  	s0 =	stileid.u32;
	[bflag:$0x2] =	sbarrier.arrive $0xFFFF  }
0x2c5: {  	p0 =	sne.s32 s0, $0x0;
	s0 =	rddreg [dreg:$0x3]  }
0x2c6: {  	s0 =	sadd.s32 @!p0 $0x100000, s0  }
0x2c7: {  	[sflag:s0] =	ssyncadd.tile.s32 @!p0 $0x1;
	_ =	shalt  }
.Lfunc_end2:
_tile_overlayer_lowered:
.L_overlay_start_2:
0x2c8: {  	(tag) =	ssettag $0x2  }
0x2c9: {  	s0 =	rddreg [dreg:$0x0];
	s2 =	stileid.u32  }
0x2ca: {  	s1 =	rddreg [dreg:$0x1];
	p0 =	sne.s32 s2, $0x0  }
0x2cb: {  	s3 =	rddreg [dreg:$0x2];
	[bflag:$0x3] =	sbarrier.arrive $0xFFFF;
	s2 =	simm.s32 @!p0 $0x1C02  }
0x2cc: {  	[timem:s3], [sflag:s2] =	dma.local @!p0 [hbm:s0], s1  }
0x2cd: {  	s0 =	simm.s32 @!p0 $0x2  }
0x2ce: {  	_ =	swait.ge @!p0 [sflag:s0], s1  }
0x2cf: {  	s1 =	ssub.s32 @!p0 $0x0, s1;
	[sflag:s0] =	ssyncset.done @!p0 $0x0  }
0x2d0: {  	[sflag:s0] =	ssyncadd.s32 @!p0 s1  }
0x2d1: {  	[bflag:$0x3] =	sbarrier.arrive $0xFFFF  }
0x2d2: {  	_ =	shalt  }

</sc_bundles>
